<compile_context>
chip_gen: v7x
topology: tpu7x:2x2x1
jax: 0.10.2.dev20260603
libtpu: 0.0.44.dev20260713+nightly
codegen_flags: <defaults>
</compile_context>

<pallas_src>
import jax
import jax.numpy as jnp
from jax import lax
from jax.experimental import pallas as pl
from jax.experimental.pallas import tpu as pltpu, tpu_sc as plsc

B, S, D = 4, 2048, 1024
NC, NS, L = 2, 16, 16
NW = NC * NS
RPW = (B * S) // NW
CHR = 16
NCH = RPW // CHR
VPR = D // L
UNROLL = 8


def _sc_body(x_hbm, p_hbm, o_hbm,
             in0, in1, out0, out1, p_v,
             isem0, isem1, osem0, osem1):
    c = lax.axis_index("c")
    s = lax.axis_index("s")
    wid = s * NC + c
    base = wid * RPW
    pltpu.sync_copy(p_hbm.at[pl.ds(lax.rem(base, S), RPW)], p_v)

    def in_copy(ci, buf, sem):
        flat0 = (base + ci * CHR) * D
        return pltpu.make_async_copy(x_hbm.at[pl.ds(flat0, CHR * D)], buf, sem)

    def out_copy(ci, buf, sem):
        flat0 = (base + ci * CHR) * D
        return pltpu.make_async_copy(buf, o_hbm.at[pl.ds(flat0, CHR * D)], sem)

    def compute(ci, ibuf, obuf):
        def row(ri, _):
            pb = plsc.load_gather(
                p_v, [jnp.full((L,), ci * CHR + ri, jnp.int32)]
            )

            def vec(vi, _):
                for u in range(UNROLL):
                    off = ri * D + (vi * UNROLL + u) * L
                    obuf[pl.ds(off, L)] = ibuf[pl.ds(off, L)] + pb
                return 0

            return lax.fori_loop(0, VPR // UNROLL, vec, 0)

        lax.fori_loop(0, CHR, row, 0)

    bufs = ((in0, isem0, out0, osem0), (in1, isem1, out1, osem1))

    in_copy(0, in0, isem0).start()
    in_copy(1, in1, isem1).start()

    def step(j, _):
        for b in range(2):
            ibuf, isem, obuf, osem = bufs[b]
            ci = 2 * j + b
            in_copy(ci, ibuf, isem).wait()

            @pl.when(j > 0)
            def _():
                out_copy(jnp.maximum(ci - 2, 0), obuf, osem).wait()

            compute(ci, ibuf, obuf)
            out_copy(ci, obuf, osem).start()

            @pl.when(ci + 2 < NCH)
            def _():
                in_copy(ci + 2, ibuf, isem).start()
        return 0

    lax.fori_loop(0, NCH // 2, step, 0)
    out_copy(NCH - 2, out0, osem0).wait()
    out_copy(NCH - 1, out1, osem1).wait()


def kernel(inputs, pos_weight):
    x1 = inputs.reshape(B * S * D)
    p1 = pos_weight.reshape(S)
    sc = pl.kernel(
        _sc_body,
        out_type=jax.ShapeDtypeStruct((B * S * D,), jnp.float32),
        mesh=plsc.VectorSubcoreMesh(core_axis_name="c", subcore_axis_name="s"),
        scratch_types=[
            pltpu.VMEM((CHR * D,), jnp.float32),
            pltpu.VMEM((CHR * D,), jnp.float32),
            pltpu.VMEM((CHR * D,), jnp.float32),
            pltpu.VMEM((CHR * D,), jnp.float32),
            pltpu.VMEM((RPW,), jnp.float32),
            pltpu.SemaphoreType.DMA,
            pltpu.SemaphoreType.DMA,
            pltpu.SemaphoreType.DMA,
            pltpu.SemaphoreType.DMA,
        ],
        compiler_params=pltpu.CompilerParams(needs_layout_passes=False),
    )
    return sc(x1, p1).reshape(B, S, D)

# --- scband reference (transcript-rebuilt; emitter-appended) ---
"""Pipeline reference for scband-positional-embedding-19868518711621 (READ-ONLY COPY).

The authoritative reference and input builder live on the scoring server;
editing this copy changes nothing except your own understanding.
"""

import jax, jax.numpy as jnp
import numpy as np

SEQ_LENGTH = 2048

def setup_inputs(seed: int = 0) -> dict:
    key = jax.random.key(seed)
    k1, k2 = jax.random.split(key)
    inputs = jax.random.normal(k1, (4, SEQ_LENGTH, 1024), dtype=jnp.float32)
    # nn.Embedding(seq_length, 1) weight, uniform_(-0.1, 0.1)
    pos_weight = jax.random.uniform(k2, (SEQ_LENGTH, 1), dtype=jnp.float32, minval=-0.1, maxval=0.1)
    return {"inputs": inputs, "pos_weight": pos_weight}

def reference(inputs, pos_weight):
    # lookup = [0, 1, ..., seq_length-1]
    lookup = jnp.arange(SEQ_LENGTH, dtype=jnp.int32)
    # embedding gather: table[idx] -> [seq_length, 1]
    p_embed = jnp.take(pos_weight, lookup, axis=0)
    # broadcast add: [B, S, D] + [S, 1]
    return inputs + p_embed

if __name__ == "__main__":
    import jax
    _d = setup_inputs()
    print(jax.jit(kernel)(*tuple(_d.values())))

</pallas_src>

<mosaic_0001>
#map = affine_map<(d0, d1) -> (0)>
module attributes {stable_mosaic.version = 14 : i64} {
  func.func @_sc_body(%arg0: i32, %arg1: i32, %arg2: memref<8388608xf32, #tpu.memory_space<hbm>>, %arg3: memref<2048xf32, #tpu.memory_space<hbm>>, %arg4: memref<8388608xf32, #tpu.memory_space<hbm>>, %arg5: memref<16384xf32, #tpu.memory_space<vmem>>, %arg6: memref<16384xf32, #tpu.memory_space<vmem>>, %arg7: memref<16384xf32, #tpu.memory_space<vmem>>, %arg8: memref<16384xf32, #tpu.memory_space<vmem>>, %arg9: memref<256xf32, #tpu.memory_space<vmem>>, %arg10: memref<!tpu.dma_semaphore, #tpu.memory_space<semaphore_mem>>, %arg11: memref<!tpu.dma_semaphore, #tpu.memory_space<semaphore_mem>>, %arg12: memref<!tpu.dma_semaphore, #tpu.memory_space<semaphore_mem>>, %arg13: memref<!tpu.dma_semaphore, #tpu.memory_space<semaphore_mem>>) attributes {dimension_semantics = [#tpu.dimension_semantics<core_parallel>, #tpu.dimension_semantics<subcore_parallel>], iteration_bounds = array<i64: 2, 16>, scalar_prefetch = 0 : i64, scratch_operands = 9 : i64, tpu.core_type = #tpu.core_type<sc_vector_subcore>, window_params = [{transform_indices = #map}, {transform_indices = #map}, {transform_indices = #map}]} {
    %mul3A = arith.constant 2 : i32
    %mul3A_0 = arith.muli %arg1, %mul3A : i32
    %add3A = arith.addi %mul3A_0, %arg0 : i32
    %mul3A_1 = arith.constant 256 : i32
    %mul3A_2 = arith.muli %add3A, %mul3A_1 : i32
    %rem3A = arith.constant 2048 : i32
    %rem3A_3 = arith.remsi %mul3A_2, %rem3A : i32
    "tpu.region"() ({
      %run_scoped3A = tpu.sem_alloc : memref<!tpu.dma_semaphore, #tpu.memory_space<semaphore_mem>>
      %dma_start3A_32 = tpu.memref_slice %arg3[%rem3A_3] : memref<2048xf32, #tpu.memory_space<hbm>> -> memref<256xf32, #tpu.memory_space<hbm>>
      %dma_start3A_33 = tpu.memref_slice %arg3[%rem3A_3] : memref<2048xf32, #tpu.memory_space<hbm>> -> memref<256xf32, #tpu.memory_space<hbm>>
      tpu.enqueue_dma source(%dma_start3A_33 : memref<256xf32, #tpu.memory_space<hbm>>) target(%arg9 : memref<256xf32, #tpu.memory_space<vmem>>) target_semaphore(%run_scoped3A : memref<!tpu.dma_semaphore, #tpu.memory_space<semaphore_mem>>)
      %dma_wait3A_34 = tpu.memref_slice %arg3[%rem3A_3] : memref<2048xf32, #tpu.memory_space<hbm>> -> memref<256xf32, #tpu.memory_space<hbm>>
      %dma_wait3A_35 = tpu.memref_slice %arg3[%rem3A_3] : memref<2048xf32, #tpu.memory_space<hbm>> -> memref<256xf32, #tpu.memory_space<hbm>>
      tpu.wait_dma2 semaphore(%run_scoped3A : memref<!tpu.dma_semaphore, #tpu.memory_space<semaphore_mem>>) src(%dma_wait3A_35 : memref<256xf32, #tpu.memory_space<hbm>>) dst(%arg9 : memref<256xf32, #tpu.memory_space<vmem>>)
      tpu.yield
    }) : () -> ()
    %add3A_4 = arith.constant 0 : i32
    %add3A_5 = arith.addi %mul3A_2, %add3A_4 : i32
    %mul3A_6 = arith.constant 1024 : i32
    %mul3A_7 = arith.muli %add3A_5, %mul3A_6 : i32
    %dma_start3A = tpu.memref_slice %arg2[%mul3A_7] : memref<8388608xf32, #tpu.memory_space<hbm>> -> memref<16384xf32, #tpu.memory_space<hbm>>
    %dma_start3A_8 = tpu.memref_slice %arg2[%mul3A_7] : memref<8388608xf32, #tpu.memory_space<hbm>> -> memref<16384xf32, #tpu.memory_space<hbm>>
    tpu.enqueue_dma source(%dma_start3A_8 : memref<16384xf32, #tpu.memory_space<hbm>>) target(%arg5 : memref<16384xf32, #tpu.memory_space<vmem>>) target_semaphore(%arg10 : memref<!tpu.dma_semaphore, #tpu.memory_space<semaphore_mem>>)
    %add3A_9 = arith.constant 16 : i32
    %add3A_10 = arith.addi %mul3A_2, %add3A_9 : i32
    %mul3A_11 = arith.constant 1024 : i32
    %mul3A_12 = arith.muli %add3A_10, %mul3A_11 : i32
    %dma_start3A_13 = tpu.memref_slice %arg2[%mul3A_12] : memref<8388608xf32, #tpu.memory_space<hbm>> -> memref<16384xf32, #tpu.memory_space<hbm>>
    %dma_start3A_14 = tpu.memref_slice %arg2[%mul3A_12] : memref<8388608xf32, #tpu.memory_space<hbm>> -> memref<16384xf32, #tpu.memory_space<hbm>>
    tpu.enqueue_dma source(%dma_start3A_14 : memref<16384xf32, #tpu.memory_space<hbm>>) target(%arg6 : memref<16384xf32, #tpu.memory_space<vmem>>) target_semaphore(%arg11 : memref<!tpu.dma_semaphore, #tpu.memory_space<semaphore_mem>>)
    %scan3A = arith.constant 0 : i32
    %scan3A_15 = arith.constant 0 : i32
    %scan3A_16 = arith.constant 8 : i32
    %scan3A_17 = arith.addi %scan3A_15, %scan3A_16 : i32
    %scan3A_18 = arith.constant 1 : i32
    %scan3A_19 = scf.for %scan3A_32 = %scan3A_15 to %scan3A_17 step %scan3A_18 iter_args(%scan3A_33 = %scan3A) -> (i32)  : i32 {
      %mul3A_34 = arith.constant 2 : i32
      %mul3A_35 = arith.muli %mul3A_34, %scan3A_32 : i32
      %add3A_36 = arith.constant 0 : i32
      %add3A_37 = arith.addi %mul3A_35, %add3A_36 : i32
      %mul3A_38 = arith.constant 16 : i32
      %mul3A_39 = arith.muli %add3A_37, %mul3A_38 : i32
      %add3A_40 = arith.addi %mul3A_2, %mul3A_39 : i32
      %mul3A_41 = arith.constant 1024 : i32
      %mul3A_42 = arith.muli %add3A_40, %mul3A_41 : i32
      %dma_wait3A_43 = tpu.memref_slice %arg2[%mul3A_42] : memref<8388608xf32, #tpu.memory_space<hbm>> -> memref<16384xf32, #tpu.memory_space<hbm>>
      %dma_wait3A_44 = tpu.memref_slice %arg2[%mul3A_42] : memref<8388608xf32, #tpu.memory_space<hbm>> -> memref<16384xf32, #tpu.memory_space<hbm>>
      tpu.wait_dma2 semaphore(%arg10 : memref<!tpu.dma_semaphore, #tpu.memory_space<semaphore_mem>>) src(%dma_wait3A_44 : memref<16384xf32, #tpu.memory_space<hbm>>) dst(%arg5 : memref<16384xf32, #tpu.memory_space<vmem>>)
      %gt3A = arith.constant 0 : i32
      %gt3A_45 = arith.cmpi sgt, %scan3A_32, %gt3A : i32
      %convert_element_type3A = arith.extui %gt3A_45 : i1 to i32
      %cond3A = arith.constant 0 : i32
      %cond3A_46 = arith.cmpi ne, %convert_element_type3A, %cond3A : i32
      scf.if %cond3A_46 {
        %sub3A = arith.constant 2 : i32
        %sub3A_105 = arith.subi %add3A_37, %sub3A : i32
        %max3A = arith.constant 0 : i32
        %max3A_106 = arith.maxsi %sub3A_105, %max3A : i32
        %mul3A_107 = arith.constant 16 : i32
        %mul3A_108 = arith.muli %max3A_106, %mul3A_107 : i32
        %add3A_109 = arith.addi %mul3A_2, %mul3A_108 : i32
        %mul3A_110 = arith.constant 1024 : i32
        %mul3A_111 = arith.muli %add3A_109, %mul3A_110 : i32
        %dma_wait3A_112 = tpu.memref_slice %arg4[%mul3A_111] : memref<8388608xf32, #tpu.memory_space<hbm>> -> memref<16384xf32, #tpu.memory_space<hbm>>
        %dma_wait3A_113 = tpu.memref_slice %arg4[%mul3A_111] : memref<8388608xf32, #tpu.memory_space<hbm>> -> memref<16384xf32, #tpu.memory_space<hbm>>
        tpu.wait_dma2 semaphore(%arg12 : memref<!tpu.dma_semaphore, #tpu.memory_space<semaphore_mem>>) src(%arg7 : memref<16384xf32, #tpu.memory_space<vmem>>) dst(%dma_wait3A_113 : memref<16384xf32, #tpu.memory_space<hbm>>)
      } else {
      }
      %scan3A_47 = arith.constant 0 : i32
      %scan3A_48 = arith.constant 0 : i32
      %scan3A_49 = arith.constant 16 : i32
      %scan3A_50 = arith.addi %scan3A_48, %scan3A_49 : i32
      %scan3A_51 = arith.constant 1 : i32
      %scan3A_52 = scf.for %scan3A_105 = %scan3A_48 to %scan3A_50 step %scan3A_51 iter_args(%scan3A_106 = %scan3A_47) -> (i32)  : i32 {
        %mul3A_107 = arith.constant 16 : i32
        %mul3A_108 = arith.muli %add3A_37, %mul3A_107 : i32
        %add3A_109 = arith.addi %mul3A_108, %scan3A_105 : i32
        %broadcast_in_dim3A = vector.broadcast %add3A_109 : i32 to vector<16xi32>
        %gather3A = tpu.vector_load_idx %arg9[%broadcast_in_dim3A] : memref<256xf32, #tpu.memory_space<vmem>>[vector<16xi32>], vector<16xf32>,
        %scan3A_110 = arith.constant 0 : i32
        %scan3A_111 = arith.constant 0 : i32
        %scan3A_112 = arith.constant 8 : i32
        %scan3A_113 = arith.addi %scan3A_111, %scan3A_112 : i32
        %scan3A_114 = arith.constant 1 : i32
        %scan3A_115 = scf.for %scan3A_117 = %scan3A_111 to %scan3A_113 step %scan3A_114 iter_args(%scan3A_118 = %scan3A_110) -> (i32)  : i32 {
          %mul3A_119 = arith.constant 1024 : i32
          %mul3A_120 = arith.muli %scan3A_105, %mul3A_119 : i32
          %mul3A_121 = arith.constant 8 : i32
          %mul3A_122 = arith.muli %scan3A_117, %mul3A_121 : i32
          %add3A_123 = arith.constant 0 : i32
          %add3A_124 = arith.addi %mul3A_122, %add3A_123 : i32
          %mul3A_125 = arith.constant 16 : i32
          %mul3A_126 = arith.muli %add3A_124, %mul3A_125 : i32
          %add3A_127 = arith.addi %mul3A_120, %mul3A_126 : i32
          %get3A = arith.index_cast %add3A_127 : i32 to index
          %get3A_128 = tpu.vector_load %arg5[%get3A] {strides = array<i32>} : memref<16384xf32, #tpu.memory_space<vmem>>, vector<16xf32>,
          %add3A_129 = arith.addf %get3A_128, %gather3A : vector<16xf32>
          %swap3A = arith.index_cast %add3A_127 : i32 to index
          %swap3A_130 = tpu.vector_load %arg7[%swap3A] {strides = array<i32>} : memref<16384xf32, #tpu.memory_space<vmem>>, vector<16xf32>,
          tpu.vector_store %arg7[%swap3A], %add3A_129 {strides = array<i32>} : memref<16384xf32, #tpu.memory_space<vmem>>, vector<16xf32>,
          %mul3A_131 = arith.constant 1024 : i32
          %mul3A_132 = arith.muli %scan3A_105, %mul3A_131 : i32
          %mul3A_133 = arith.constant 8 : i32
          %mul3A_134 = arith.muli %scan3A_117, %mul3A_133 : i32
          %add3A_135 = arith.constant 1 : i32
          %add3A_136 = arith.addi %mul3A_134, %add3A_135 : i32
          %mul3A_137 = arith.constant 16 : i32
          %mul3A_138 = arith.muli %add3A_136, %mul3A_137 : i32
          %add3A_139 = arith.addi %mul3A_132, %mul3A_138 : i32
          %get3A_140 = arith.index_cast %add3A_139 : i32 to index
          %get3A_141 = tpu.vector_load %arg5[%get3A_140] {strides = array<i32>} : memref<16384xf32, #tpu.memory_space<vmem>>, vector<16xf32>,
          %add3A_142 = arith.addf %get3A_141, %gather3A : vector<16xf32>
          %swap3A_143 = arith.index_cast %add3A_139 : i32 to index
          %swap3A_144 = tpu.vector_load %arg7[%swap3A_143] {strides = array<i32>} : memref<16384xf32, #tpu.memory_space<vmem>>, vector<16xf32>,
          tpu.vector_store %arg7[%swap3A_143], %add3A_142 {strides = array<i32>} : memref<16384xf32, #tpu.memory_space<vmem>>, vector<16xf32>,
          %mul3A_145 = arith.constant 1024 : i32
          %mul3A_146 = arith.muli %scan3A_105, %mul3A_145 : i32
          %mul3A_147 = arith.constant 8 : i32
          %mul3A_148 = arith.muli %scan3A_117, %mul3A_147 : i32
          %add3A_149 = arith.constant 2 : i32
          %add3A_150 = arith.addi %mul3A_148, %add3A_149 : i32
          %mul3A_151 = arith.constant 16 : i32
          %mul3A_152 = arith.muli %add3A_150, %mul3A_151 : i32
          %add3A_153 = arith.addi %mul3A_146, %mul3A_152 : i32
          %get3A_154 = arith.index_cast %add3A_153 : i32 to index
          %get3A_155 = tpu.vector_load %arg5[%get3A_154] {strides = array<i32>} : memref<16384xf32, #tpu.memory_space<vmem>>, vector<16xf32>,
          %add3A_156 = arith.addf %get3A_155, %gather3A : vector<16xf32>
          %swap3A_157 = arith.index_cast %add3A_153 : i32 to index
          %swap3A_158 = tpu.vector_load %arg7[%swap3A_157] {strides = array<i32>} : memref<16384xf32, #tpu.memory_space<vmem>>, vector<16xf32>,
          tpu.vector_store %arg7[%swap3A_157], %add3A_156 {strides = array<i32>} : memref<16384xf32, #tpu.memory_space<vmem>>, vector<16xf32>,
          %mul3A_159 = arith.constant 1024 : i32
          %mul3A_160 = arith.muli %scan3A_105, %mul3A_159 : i32
          %mul3A_161 = arith.constant 8 : i32
          %mul3A_162 = arith.muli %scan3A_117, %mul3A_161 : i32
          %add3A_163 = arith.constant 3 : i32
          %add3A_164 = arith.addi %mul3A_162, %add3A_163 : i32
          %mul3A_165 = arith.constant 16 : i32
          %mul3A_166 = arith.muli %add3A_164, %mul3A_165 : i32
          %add3A_167 = arith.addi %mul3A_160, %mul3A_166 : i32
          %get3A_168 = arith.index_cast %add3A_167 : i32 to index
          %get3A_169 = tpu.vector_load %arg5[%get3A_168] {strides = array<i32>} : memref<16384xf32, #tpu.memory_space<vmem>>, vector<16xf32>,
          %add3A_170 = arith.addf %get3A_169, %gather3A : vector<16xf32>
          %swap3A_171 = arith.index_cast %add3A_167 : i32 to index
          %swap3A_172 = tpu.vector_load %arg7[%swap3A_171] {strides = array<i32>} : memref<16384xf32, #tpu.memory_space<vmem>>, vector<16xf32>,
          tpu.vector_store %arg7[%swap3A_171], %add3A_170 {strides = array<i32>} : memref<16384xf32, #tpu.memory_space<vmem>>, vector<16xf32>,
          %mul3A_173 = arith.constant 1024 : i32
          %mul3A_174 = arith.muli %scan3A_105, %mul3A_173 : i32
          %mul3A_175 = arith.constant 8 : i32
          %mul3A_176 = arith.muli %scan3A_117, %mul3A_175 : i32
          %add3A_177 = arith.constant 4 : i32
          %add3A_178 = arith.addi %mul3A_176, %add3A_177 : i32
          %mul3A_179 = arith.constant 16 : i32
          %mul3A_180 = arith.muli %add3A_178, %mul3A_179 : i32
          %add3A_181 = arith.addi %mul3A_174, %mul3A_180 : i32
          %get3A_182 = arith.index_cast %add3A_181 : i32 to index
          %get3A_183 = tpu.vector_load %arg5[%get3A_182] {strides = array<i32>} : memref<16384xf32, #tpu.memory_space<vmem>>, vector<16xf32>,
          %add3A_184 = arith.addf %get3A_183, %gather3A : vector<16xf32>
          %swap3A_185 = arith.index_cast %add3A_181 : i32 to index
          %swap3A_186 = tpu.vector_load %arg7[%swap3A_185] {strides = array<i32>} : memref<16384xf32, #tpu.memory_space<vmem>>, vector<16xf32>,
          tpu.vector_store %arg7[%swap3A_185], %add3A_184 {strides = array<i32>} : memref<16384xf32, #tpu.memory_space<vmem>>, vector<16xf32>,
          %mul3A_187 = arith.constant 1024 : i32
          %mul3A_188 = arith.muli %scan3A_105, %mul3A_187 : i32
          %mul3A_189 = arith.constant 8 : i32
          %mul3A_190 = arith.muli %scan3A_117, %mul3A_189 : i32
          %add3A_191 = arith.constant 5 : i32
          %add3A_192 = arith.addi %mul3A_190, %add3A_191 : i32
          %mul3A_193 = arith.constant 16 : i32
          %mul3A_194 = arith.muli %add3A_192, %mul3A_193 : i32
          %add3A_195 = arith.addi %mul3A_188, %mul3A_194 : i32
          %get3A_196 = arith.index_cast %add3A_195 : i32 to index
          %get3A_197 = tpu.vector_load %arg5[%get3A_196] {strides = array<i32>} : memref<16384xf32, #tpu.memory_space<vmem>>, vector<16xf32>,
          %add3A_198 = arith.addf %get3A_197, %gather3A : vector<16xf32>
          %swap3A_199 = arith.index_cast %add3A_195 : i32 to index
          %swap3A_200 = tpu.vector_load %arg7[%swap3A_199] {strides = array<i32>} : memref<16384xf32, #tpu.memory_space<vmem>>, vector<16xf32>,
          tpu.vector_store %arg7[%swap3A_199], %add3A_198 {strides = array<i32>} : memref<16384xf32, #tpu.memory_space<vmem>>, vector<16xf32>,
          %mul3A_201 = arith.constant 1024 : i32
          %mul3A_202 = arith.muli %scan3A_105, %mul3A_201 : i32
          %mul3A_203 = arith.constant 8 : i32
          %mul3A_204 = arith.muli %scan3A_117, %mul3A_203 : i32
          %add3A_205 = arith.constant 6 : i32
          %add3A_206 = arith.addi %mul3A_204, %add3A_205 : i32
          %mul3A_207 = arith.constant 16 : i32
          %mul3A_208 = arith.muli %add3A_206, %mul3A_207 : i32
          %add3A_209 = arith.addi %mul3A_202, %mul3A_208 : i32
          %get3A_210 = arith.index_cast %add3A_209 : i32 to index
          %get3A_211 = tpu.vector_load %arg5[%get3A_210] {strides = array<i32>} : memref<16384xf32, #tpu.memory_space<vmem>>, vector<16xf32>,
          %add3A_212 = arith.addf %get3A_211, %gather3A : vector<16xf32>
          %swap3A_213 = arith.index_cast %add3A_209 : i32 to index
          %swap3A_214 = tpu.vector_load %arg7[%swap3A_213] {strides = array<i32>} : memref<16384xf32, #tpu.memory_space<vmem>>, vector<16xf32>,
          tpu.vector_store %arg7[%swap3A_213], %add3A_212 {strides = array<i32>} : memref<16384xf32, #tpu.memory_space<vmem>>, vector<16xf32>,
          %mul3A_215 = arith.constant 1024 : i32
          %mul3A_216 = arith.muli %scan3A_105, %mul3A_215 : i32
          %mul3A_217 = arith.constant 8 : i32
          %mul3A_218 = arith.muli %scan3A_117, %mul3A_217 : i32
          %add3A_219 = arith.constant 7 : i32
          %add3A_220 = arith.addi %mul3A_218, %add3A_219 : i32
          %mul3A_221 = arith.constant 16 : i32
          %mul3A_222 = arith.muli %add3A_220, %mul3A_221 : i32
          %add3A_223 = arith.addi %mul3A_216, %mul3A_222 : i32
          %get3A_224 = arith.index_cast %add3A_223 : i32 to index
          %get3A_225 = tpu.vector_load %arg5[%get3A_224] {strides = array<i32>} : memref<16384xf32, #tpu.memory_space<vmem>>, vector<16xf32>,
          %add3A_226 = arith.addf %get3A_225, %gather3A : vector<16xf32>
          %swap3A_227 = arith.index_cast %add3A_223 : i32 to index
          %swap3A_228 = tpu.vector_load %arg7[%swap3A_227] {strides = array<i32>} : memref<16384xf32, #tpu.memory_space<vmem>>, vector<16xf32>,
          tpu.vector_store %arg7[%swap3A_227], %add3A_226 {strides = array<i32>} : memref<16384xf32, #tpu.memory_space<vmem>>, vector<16xf32>,
          %scan3A_229 = arith.constant 0 : i32
          scf.yield %scan3A_229 : i32
        }
        %scan3A_116 = arith.constant 8 : i32
        scf.yield %scan3A_115 : i32
      }
      %scan3A_53 = arith.constant 16 : i32
      %mul3A_54 = arith.constant 16 : i32
      %mul3A_55 = arith.muli %add3A_37, %mul3A_54 : i32
      %add3A_56 = arith.addi %mul3A_2, %mul3A_55 : i32
      %mul3A_57 = arith.constant 1024 : i32
      %mul3A_58 = arith.muli %add3A_56, %mul3A_57 : i32
      %dma_start3A_59 = tpu.memref_slice %arg4[%mul3A_58] : memref<8388608xf32, #tpu.memory_space<hbm>> -> memref<16384xf32, #tpu.memory_space<hbm>>
      %dma_start3A_60 = tpu.memref_slice %arg4[%mul3A_58] : memref<8388608xf32, #tpu.memory_space<hbm>> -> memref<16384xf32, #tpu.memory_space<hbm>>
      tpu.enqueue_dma source(%arg7 : memref<16384xf32, #tpu.memory_space<vmem>>) target(%dma_start3A_60 : memref<16384xf32, #tpu.memory_space<hbm>>) target_semaphore(%arg12 : memref<!tpu.dma_semaphore, #tpu.memory_space<semaphore_mem>>)
      %add3A_61 = arith.constant 2 : i32
      %add3A_62 = arith.addi %add3A_37, %add3A_61 : i32
      %lt3A = arith.constant 16 : i32
      %lt3A_63 = arith.cmpi slt, %add3A_62, %lt3A : i32
      %convert_element_type3A_64 = arith.extui %lt3A_63 : i1 to i32
      %cond3A_65 = arith.constant 0 : i32
      %cond3A_66 = arith.cmpi ne, %convert_element_type3A_64, %cond3A_65 : i32
      scf.if %cond3A_66 {
        %add3A_105 = arith.constant 2 : i32
        %add3A_106 = arith.addi %add3A_37, %add3A_105 : i32
        %mul3A_107 = arith.constant 16 : i32
        %mul3A_108 = arith.muli %add3A_106, %mul3A_107 : i32
        %add3A_109 = arith.addi %mul3A_2, %mul3A_108 : i32
        %mul3A_110 = arith.constant 1024 : i32
        %mul3A_111 = arith.muli %add3A_109, %mul3A_110 : i32
        %dma_start3A_112 = tpu.memref_slice %arg2[%mul3A_111] : memref<8388608xf32, #tpu.memory_space<hbm>> -> memref<16384xf32, #tpu.memory_space<hbm>>
        %dma_start3A_113 = tpu.memref_slice %arg2[%mul3A_111] : memref<8388608xf32, #tpu.memory_space<hbm>> -> memref<16384xf32, #tpu.memory_space<hbm>>
        tpu.enqueue_dma source(%dma_start3A_113 : memref<16384xf32, #tpu.memory_space<hbm>>) target(%arg5 : memref<16384xf32, #tpu.memory_space<vmem>>) target_semaphore(%arg10 : memref<!tpu.dma_semaphore, #tpu.memory_space<semaphore_mem>>)
      } else {
      }
      %mul3A_67 = arith.constant 2 : i32
      %mul3A_68 = arith.muli %mul3A_67, %scan3A_32 : i32
      %add3A_69 = arith.constant 1 : i32
      %add3A_70 = arith.addi %mul3A_68, %add3A_69 : i32
      %mul3A_71 = arith.constant 16 : i32
      %mul3A_72 = arith.muli %add3A_70, %mul3A_71 : i32
      %add3A_73 = arith.addi %mul3A_2, %mul3A_72 : i32
      %mul3A_74 = arith.constant 1024 : i32
      %mul3A_75 = arith.muli %add3A_73, %mul3A_74 : i32
      %dma_wait3A_76 = tpu.memref_slice %arg2[%mul3A_75] : memref<8388608xf32, #tpu.memory_space<hbm>> -> memref<16384xf32, #tpu.memory_space<hbm>>
      %dma_wait3A_77 = tpu.memref_slice %arg2[%mul3A_75] : memref<8388608xf32, #tpu.memory_space<hbm>> -> memref<16384xf32, #tpu.memory_space<hbm>>
      tpu.wait_dma2 semaphore(%arg11 : memref<!tpu.dma_semaphore, #tpu.memory_space<semaphore_mem>>) src(%dma_wait3A_77 : memref<16384xf32, #tpu.memory_space<hbm>>) dst(%arg6 : memref<16384xf32, #tpu.memory_space<vmem>>)
      %gt3A_78 = arith.constant 0 : i32
      %gt3A_79 = arith.cmpi sgt, %scan3A_32, %gt3A_78 : i32
      %convert_element_type3A_80 = arith.extui %gt3A_79 : i1 to i32
      %cond3A_81 = arith.constant 0 : i32
      %cond3A_82 = arith.cmpi ne, %convert_element_type3A_80, %cond3A_81 : i32
      scf.if %cond3A_82 {
        %sub3A = arith.constant 2 : i32
        %sub3A_105 = arith.subi %add3A_70, %sub3A : i32
        %max3A = arith.constant 0 : i32
        %max3A_106 = arith.maxsi %sub3A_105, %max3A : i32
        %mul3A_107 = arith.constant 16 : i32
        %mul3A_108 = arith.muli %max3A_106, %mul3A_107 : i32
        %add3A_109 = arith.addi %mul3A_2, %mul3A_108 : i32
        %mul3A_110 = arith.constant 1024 : i32
        %mul3A_111 = arith.muli %add3A_109, %mul3A_110 : i32
        %dma_wait3A_112 = tpu.memref_slice %arg4[%mul3A_111] : memref<8388608xf32, #tpu.memory_space<hbm>> -> memref<16384xf32, #tpu.memory_space<hbm>>
        %dma_wait3A_113 = tpu.memref_slice %arg4[%mul3A_111] : memref<8388608xf32, #tpu.memory_space<hbm>> -> memref<16384xf32, #tpu.memory_space<hbm>>
        tpu.wait_dma2 semaphore(%arg13 : memref<!tpu.dma_semaphore, #tpu.memory_space<semaphore_mem>>) src(%arg8 : memref<16384xf32, #tpu.memory_space<vmem>>) dst(%dma_wait3A_113 : memref<16384xf32, #tpu.memory_space<hbm>>)
      } else {
      }
      %scan3A_83 = arith.constant 0 : i32
      %scan3A_84 = arith.constant 0 : i32
      %scan3A_85 = arith.constant 16 : i32
      %scan3A_86 = arith.addi %scan3A_84, %scan3A_85 : i32
      %scan3A_87 = arith.constant 1 : i32
      %scan3A_88 = scf.for %scan3A_105 = %scan3A_84 to %scan3A_86 step %scan3A_87 iter_args(%scan3A_106 = %scan3A_83) -> (i32)  : i32 {
        %mul3A_107 = arith.constant 16 : i32
        %mul3A_108 = arith.muli %add3A_70, %mul3A_107 : i32
        %add3A_109 = arith.addi %mul3A_108, %scan3A_105 : i32
        %broadcast_in_dim3A = vector.broadcast %add3A_109 : i32 to vector<16xi32>
        %gather3A = tpu.vector_load_idx %arg9[%broadcast_in_dim3A] : memref<256xf32, #tpu.memory_space<vmem>>[vector<16xi32>], vector<16xf32>,
        %scan3A_110 = arith.constant 0 : i32
        %scan3A_111 = arith.constant 0 : i32
        %scan3A_112 = arith.constant 8 : i32
        %scan3A_113 = arith.addi %scan3A_111, %scan3A_112 : i32
        %scan3A_114 = arith.constant 1 : i32
        %scan3A_115 = scf.for %scan3A_117 = %scan3A_111 to %scan3A_113 step %scan3A_114 iter_args(%scan3A_118 = %scan3A_110) -> (i32)  : i32 {
          %mul3A_119 = arith.constant 1024 : i32
          %mul3A_120 = arith.muli %scan3A_105, %mul3A_119 : i32
          %mul3A_121 = arith.constant 8 : i32
          %mul3A_122 = arith.muli %scan3A_117, %mul3A_121 : i32
          %add3A_123 = arith.constant 0 : i32
          %add3A_124 = arith.addi %mul3A_122, %add3A_123 : i32
          %mul3A_125 = arith.constant 16 : i32
          %mul3A_126 = arith.muli %add3A_124, %mul3A_125 : i32
          %add3A_127 = arith.addi %mul3A_120, %mul3A_126 : i32
          %get3A = arith.index_cast %add3A_127 : i32 to index
          %get3A_128 = tpu.vector_load %arg6[%get3A] {strides = array<i32>} : memref<16384xf32, #tpu.memory_space<vmem>>, vector<16xf32>,
          %add3A_129 = arith.addf %get3A_128, %gather3A : vector<16xf32>
          %swap3A = arith.index_cast %add3A_127 : i32 to index
          %swap3A_130 = tpu.vector_load %arg8[%swap3A] {strides = array<i32>} : memref<16384xf32, #tpu.memory_space<vmem>>, vector<16xf32>,
          tpu.vector_store %arg8[%swap3A], %add3A_129 {strides = array<i32>} : memref<16384xf32, #tpu.memory_space<vmem>>, vector<16xf32>,
          %mul3A_131 = arith.constant 1024 : i32
          %mul3A_132 = arith.muli %scan3A_105, %mul3A_131 : i32
          %mul3A_133 = arith.constant 8 : i32
          %mul3A_134 = arith.muli %scan3A_117, %mul3A_133 : i32
          %add3A_135 = arith.constant 1 : i32
          %add3A_136 = arith.addi %mul3A_134, %add3A_135 : i32
          %mul3A_137 = arith.constant 16 : i32
          %mul3A_138 = arith.muli %add3A_136, %mul3A_137 : i32
          %add3A_139 = arith.addi %mul3A_132, %mul3A_138 : i32
          %get3A_140 = arith.index_cast %add3A_139 : i32 to index
          %get3A_141 = tpu.vector_load %arg6[%get3A_140] {strides = array<i32>} : memref<16384xf32, #tpu.memory_space<vmem>>, vector<16xf32>,
          %add3A_142 = arith.addf %get3A_141, %gather3A : vector<16xf32>
          %swap3A_143 = arith.index_cast %add3A_139 : i32 to index
          %swap3A_144 = tpu.vector_load %arg8[%swap3A_143] {strides = array<i32>} : memref<16384xf32, #tpu.memory_space<vmem>>, vector<16xf32>,
          tpu.vector_store %arg8[%swap3A_143], %add3A_142 {strides = array<i32>} : memref<16384xf32, #tpu.memory_space<vmem>>, vector<16xf32>,
          %mul3A_145 = arith.constant 1024 : i32
          %mul3A_146 = arith.muli %scan3A_105, %mul3A_145 : i32
          %mul3A_147 = arith.constant 8 : i32
          %mul3A_148 = arith.muli %scan3A_117, %mul3A_147 : i32
          %add3A_149 = arith.constant 2 : i32
          %add3A_150 = arith.addi %mul3A_148, %add3A_149 : i32
          %mul3A_151 = arith.constant 16 : i32
          %mul3A_152 = arith.muli %add3A_150, %mul3A_151 : i32
          %add3A_153 = arith.addi %mul3A_146, %mul3A_152 : i32
          %get3A_154 = arith.index_cast %add3A_153 : i32 to index
          %get3A_155 = tpu.vector_load %arg6[%get3A_154] {strides = array<i32>} : memref<16384xf32, #tpu.memory_space<vmem>>, vector<16xf32>,
          %add3A_156 = arith.addf %get3A_155, %gather3A : vector<16xf32>
          %swap3A_157 = arith.index_cast %add3A_153 : i32 to index
          %swap3A_158 = tpu.vector_load %arg8[%swap3A_157] {strides = array<i32>} : memref<16384xf32, #tpu.memory_space<vmem>>, vector<16xf32>,
          tpu.vector_store %arg8[%swap3A_157], %add3A_156 {strides = array<i32>} : memref<16384xf32, #tpu.memory_space<vmem>>, vector<16xf32>,
          %mul3A_159 = arith.constant 1024 : i32
          %mul3A_160 = arith.muli %scan3A_105, %mul3A_159 : i32
          %mul3A_161 = arith.constant 8 : i32
          %mul3A_162 = arith.muli %scan3A_117, %mul3A_161 : i32
          %add3A_163 = arith.constant 3 : i32
          %add3A_164 = arith.addi %mul3A_162, %add3A_163 : i32
          %mul3A_165 = arith.constant 16 : i32
          %mul3A_166 = arith.muli %add3A_164, %mul3A_165 : i32
          %add3A_167 = arith.addi %mul3A_160, %mul3A_166 : i32
          %get3A_168 = arith.index_cast %add3A_167 : i32 to index
          %get3A_169 = tpu.vector_load %arg6[%get3A_168] {strides = array<i32>} : memref<16384xf32, #tpu.memory_space<vmem>>, vector<16xf32>,
          %add3A_170 = arith.addf %get3A_169, %gather3A : vector<16xf32>
          %swap3A_171 = arith.index_cast %add3A_167 : i32 to index
          %swap3A_172 = tpu.vector_load %arg8[%swap3A_171] {strides = array<i32>} : memref<16384xf32, #tpu.memory_space<vmem>>, vector<16xf32>,
          tpu.vector_store %arg8[%swap3A_171], %add3A_170 {strides = array<i32>} : memref<16384xf32, #tpu.memory_space<vmem>>, vector<16xf32>,
          %mul3A_173 = arith.constant 1024 : i32
          %mul3A_174 = arith.muli %scan3A_105, %mul3A_173 : i32
          %mul3A_175 = arith.constant 8 : i32
          %mul3A_176 = arith.muli %scan3A_117, %mul3A_175 : i32
          %add3A_177 = arith.constant 4 : i32
          %add3A_178 = arith.addi %mul3A_176, %add3A_177 : i32
          %mul3A_179 = arith.constant 16 : i32
          %mul3A_180 = arith.muli %add3A_178, %mul3A_179 : i32
          %add3A_181 = arith.addi %mul3A_174, %mul3A_180 : i32
          %get3A_182 = arith.index_cast %add3A_181 : i32 to index
          %get3A_183 = tpu.vector_load %arg6[%get3A_182] {strides = array<i32>} : memref<16384xf32, #tpu.memory_space<vmem>>, vector<16xf32>,
          %add3A_184 = arith.addf %get3A_183, %gather3A : vector<16xf32>
          %swap3A_185 = arith.index_cast %add3A_181 : i32 to index
          %swap3A_186 = tpu.vector_load %arg8[%swap3A_185] {strides = array<i32>} : memref<16384xf32, #tpu.memory_space<vmem>>, vector<16xf32>,
          tpu.vector_store %arg8[%swap3A_185], %add3A_184 {strides = array<i32>} : memref<16384xf32, #tpu.memory_space<vmem>>, vector<16xf32>,
          %mul3A_187 = arith.constant 1024 : i32
          %mul3A_188 = arith.muli %scan3A_105, %mul3A_187 : i32
          %mul3A_189 = arith.constant 8 : i32
          %mul3A_190 = arith.muli %scan3A_117, %mul3A_189 : i32
          %add3A_191 = arith.constant 5 : i32
          %add3A_192 = arith.addi %mul3A_190, %add3A_191 : i32
          %mul3A_193 = arith.constant 16 : i32
          %mul3A_194 = arith.muli %add3A_192, %mul3A_193 : i32
          %add3A_195 = arith.addi %mul3A_188, %mul3A_194 : i32
          %get3A_196 = arith.index_cast %add3A_195 : i32 to index
          %get3A_197 = tpu.vector_load %arg6[%get3A_196] {strides = array<i32>} : memref<16384xf32, #tpu.memory_space<vmem>>, vector<16xf32>,
          %add3A_198 = arith.addf %get3A_197, %gather3A : vector<16xf32>
          %swap3A_199 = arith.index_cast %add3A_195 : i32 to index
          %swap3A_200 = tpu.vector_load %arg8[%swap3A_199] {strides = array<i32>} : memref<16384xf32, #tpu.memory_space<vmem>>, vector<16xf32>,
          tpu.vector_store %arg8[%swap3A_199], %add3A_198 {strides = array<i32>} : memref<16384xf32, #tpu.memory_space<vmem>>, vector<16xf32>,
          %mul3A_201 = arith.constant 1024 : i32
          %mul3A_202 = arith.muli %scan3A_105, %mul3A_201 : i32
          %mul3A_203 = arith.constant 8 : i32
          %mul3A_204 = arith.muli %scan3A_117, %mul3A_203 : i32
          %add3A_205 = arith.constant 6 : i32
          %add3A_206 = arith.addi %mul3A_204, %add3A_205 : i32
          %mul3A_207 = arith.constant 16 : i32
          %mul3A_208 = arith.muli %add3A_206, %mul3A_207 : i32
          %add3A_209 = arith.addi %mul3A_202, %mul3A_208 : i32
          %get3A_210 = arith.index_cast %add3A_209 : i32 to index
          %get3A_211 = tpu.vector_load %arg6[%get3A_210] {strides = array<i32>} : memref<16384xf32, #tpu.memory_space<vmem>>, vector<16xf32>,
          %add3A_212 = arith.addf %get3A_211, %gather3A : vector<16xf32>
          %swap3A_213 = arith.index_cast %add3A_209 : i32 to index
          %swap3A_214 = tpu.vector_load %arg8[%swap3A_213] {strides = array<i32>} : memref<16384xf32, #tpu.memory_space<vmem>>, vector<16xf32>,
          tpu.vector_store %arg8[%swap3A_213], %add3A_212 {strides = array<i32>} : memref<16384xf32, #tpu.memory_space<vmem>>, vector<16xf32>,
          %mul3A_215 = arith.constant 1024 : i32
          %mul3A_216 = arith.muli %scan3A_105, %mul3A_215 : i32
          %mul3A_217 = arith.constant 8 : i32
          %mul3A_218 = arith.muli %scan3A_117, %mul3A_217 : i32
          %add3A_219 = arith.constant 7 : i32
          %add3A_220 = arith.addi %mul3A_218, %add3A_219 : i32
          %mul3A_221 = arith.constant 16 : i32
          %mul3A_222 = arith.muli %add3A_220, %mul3A_221 : i32
          %add3A_223 = arith.addi %mul3A_216, %mul3A_222 : i32
          %get3A_224 = arith.index_cast %add3A_223 : i32 to index
          %get3A_225 = tpu.vector_load %arg6[%get3A_224] {strides = array<i32>} : memref<16384xf32, #tpu.memory_space<vmem>>, vector<16xf32>,
          %add3A_226 = arith.addf %get3A_225, %gather3A : vector<16xf32>
          %swap3A_227 = arith.index_cast %add3A_223 : i32 to index
          %swap3A_228 = tpu.vector_load %arg8[%swap3A_227] {strides = array<i32>} : memref<16384xf32, #tpu.memory_space<vmem>>, vector<16xf32>,
          tpu.vector_store %arg8[%swap3A_227], %add3A_226 {strides = array<i32>} : memref<16384xf32, #tpu.memory_space<vmem>>, vector<16xf32>,
          %scan3A_229 = arith.constant 0 : i32
          scf.yield %scan3A_229 : i32
        }
        %scan3A_116 = arith.constant 8 : i32
        scf.yield %scan3A_115 : i32
      }
      %scan3A_89 = arith.constant 16 : i32
      %mul3A_90 = arith.constant 16 : i32
      %mul3A_91 = arith.muli %add3A_70, %mul3A_90 : i32
      %add3A_92 = arith.addi %mul3A_2, %mul3A_91 : i32
      %mul3A_93 = arith.constant 1024 : i32
      %mul3A_94 = arith.muli %add3A_92, %mul3A_93 : i32
      %dma_start3A_95 = tpu.memref_slice %arg4[%mul3A_94] : memref<8388608xf32, #tpu.memory_space<hbm>> -> memref<16384xf32, #tpu.memory_space<hbm>>
      %dma_start3A_96 = tpu.memref_slice %arg4[%mul3A_94] : memref<8388608xf32, #tpu.memory_space<hbm>> -> memref<16384xf32, #tpu.memory_space<hbm>>
      tpu.enqueue_dma source(%arg8 : memref<16384xf32, #tpu.memory_space<vmem>>) target(%dma_start3A_96 : memref<16384xf32, #tpu.memory_space<hbm>>) target_semaphore(%arg13 : memref<!tpu.dma_semaphore, #tpu.memory_space<semaphore_mem>>)
      %add3A_97 = arith.constant 2 : i32
      %add3A_98 = arith.addi %add3A_70, %add3A_97 : i32
      %lt3A_99 = arith.constant 16 : i32
      %lt3A_100 = arith.cmpi slt, %add3A_98, %lt3A_99 : i32
      %convert_element_type3A_101 = arith.extui %lt3A_100 : i1 to i32
      %cond3A_102 = arith.constant 0 : i32
      %cond3A_103 = arith.cmpi ne, %convert_element_type3A_101, %cond3A_102 : i32
      scf.if %cond3A_103 {
        %add3A_105 = arith.constant 2 : i32
        %add3A_106 = arith.addi %add3A_70, %add3A_105 : i32
        %mul3A_107 = arith.constant 16 : i32
        %mul3A_108 = arith.muli %add3A_106, %mul3A_107 : i32
        %add3A_109 = arith.addi %mul3A_2, %mul3A_108 : i32
        %mul3A_110 = arith.constant 1024 : i32
        %mul3A_111 = arith.muli %add3A_109, %mul3A_110 : i32
        %dma_start3A_112 = tpu.memref_slice %arg2[%mul3A_111] : memref<8388608xf32, #tpu.memory_space<hbm>> -> memref<16384xf32, #tpu.memory_space<hbm>>
        %dma_start3A_113 = tpu.memref_slice %arg2[%mul3A_111] : memref<8388608xf32, #tpu.memory_space<hbm>> -> memref<16384xf32, #tpu.memory_space<hbm>>
        tpu.enqueue_dma source(%dma_start3A_113 : memref<16384xf32, #tpu.memory_space<hbm>>) target(%arg6 : memref<16384xf32, #tpu.memory_space<vmem>>) target_semaphore(%arg11 : memref<!tpu.dma_semaphore, #tpu.memory_space<semaphore_mem>>)
      } else {
      }
      %scan3A_104 = arith.constant 0 : i32
      scf.yield %scan3A_104 : i32
    }
    %scan3A_20 = arith.constant 8 : i32
    %add3A_21 = arith.constant 224 : i32
    %add3A_22 = arith.addi %mul3A_2, %add3A_21 : i32
    %mul3A_23 = arith.constant 1024 : i32
    %mul3A_24 = arith.muli %add3A_22, %mul3A_23 : i32
    %dma_wait3A = tpu.memref_slice %arg4[%mul3A_24] : memref<8388608xf32, #tpu.memory_space<hbm>> -> memref<16384xf32, #tpu.memory_space<hbm>>
    %dma_wait3A_25 = tpu.memref_slice %arg4[%mul3A_24] : memref<8388608xf32, #tpu.memory_space<hbm>> -> memref<16384xf32, #tpu.memory_space<hbm>>
    tpu.wait_dma2 semaphore(%arg12 : memref<!tpu.dma_semaphore, #tpu.memory_space<semaphore_mem>>) src(%arg7 : memref<16384xf32, #tpu.memory_space<vmem>>) dst(%dma_wait3A_25 : memref<16384xf32, #tpu.memory_space<hbm>>)
    %add3A_26 = arith.constant 240 : i32
    %add3A_27 = arith.addi %mul3A_2, %add3A_26 : i32
    %mul3A_28 = arith.constant 1024 : i32
    %mul3A_29 = arith.muli %add3A_27, %mul3A_28 : i32
    %dma_wait3A_30 = tpu.memref_slice %arg4[%mul3A_29] : memref<8388608xf32, #tpu.memory_space<hbm>> -> memref<16384xf32, #tpu.memory_space<hbm>>
    %dma_wait3A_31 = tpu.memref_slice %arg4[%mul3A_29] : memref<8388608xf32, #tpu.memory_space<hbm>> -> memref<16384xf32, #tpu.memory_space<hbm>>
    tpu.wait_dma2 semaphore(%arg13 : memref<!tpu.dma_semaphore, #tpu.memory_space<semaphore_mem>>) src(%arg8 : memref<16384xf32, #tpu.memory_space<vmem>>) dst(%dma_wait3A_31 : memref<16384xf32, #tpu.memory_space<hbm>>)
    return
  }
}

</mosaic_0001>

<sc_bundles>
// kernel: kernel.3.cloned.1.call-start
scs
__scs_entry_jumppad:
0x0: {  	(pc) =	sbr.rel $0x88, $3  }
0x1: {  	(tag) =	ssettag $0x0;
	lr =	simm.s32 $0x1  }
0x2: {  	[smem:$0x3F9F] =	sst lr;
	_ =	strace $0xD0000000  }
0x3: {  	_ = 	snop  }
0x4: {  	_ = 	snop  }
0x5: {  	_ = 	snop  }
0x6: {  	_ = 	snop  }
0x7: {  	_ = 	snop  }
__scs_overlays_trampoline_lowered:
0x8: {  	[smem:$0x3FAE] =	sst s0  }
0x9: {  	[smem:$0x3FAF] =	sst s1  }
0xa: {  	[smem:$0x3FB0] =	sst s2  }
0xb: {  	[smem:$0x3FB1] =	sst s3  }
0xc: {  	[smem:$0x3FB2] =	sst s4  }
0xd: {  	[smem:$0x3FB3] =	sst s5  }
0xe: {  	[smem:$0x3FB4] =	sst s6  }
0xf: {  	[smem:$0x3FB5] =	sst s7  }
0x10: {  	[smem:$0x3FB6] =	sst s8  }
0x11: {  	[smem:$0x3FB7] =	sst s9;
	s0 =	simm.s32 @!p0 $0x0  }
0x12: {  	s1 =	sld [smem:$0x3F9D];
	s0 =	simm.s32 @p0 $0x1  }
0x13: {  	[smem:$0x3FB8] =	sst s0;
	s0 =	simm.s32 @!p1 $0x0  }
0x14: {  	s2 =	sld [smem:$0x3F9C];
	s0 =	simm.s32 @p1 $0x1  }
0x15: {  	[smem:$0x3FB9] =	sst s0;
	s0 =	simm.s32 @!p2 $0x0  }
0x16: {  	s3 =	sld [smem:$0x3FDB];
	s0 =	simm.s32 @p2 $0x1  }
0x17: {  	s4 =	simm.s32 $0x1BF5;
	[smem:$0x3FBB] =	sst s0  }
0x18: {  	s0 =	sld [smem:$0x3F9E];
	_ =	swait.ge [sflag:s4], $0x0  }
0x19: {  	s7 =	sld [smem:$0x3F9F]  }
0x1a: {  	s8 =	sadd.s32 $0xFFFFE003, lr  }
0x1b: {  	s9 =	sadd.s32 $0xFFFFFEF7, lr;
	s5 =	simm.s32 $0xFFFFFFFF;
	p2 =	slt.u32 s8, $0xFFFFF086  }
0x1c: {  	p1 =	slt.u32 s9, $0xF7A;
	s5 =	simm.s32 @!p2 $0x0  }
0x1d: {  	s5 =	simm.s32 @p1 $0x1;
	p0 =	seq.s32 s7, s2  }
0x1e: {  	s7 =	smul.u32 @!p0 $0xF7A, s2;
	p2 =	seq.s32 @!p0 s5, $0x0  }
0x1f: {  	s9 =	smul.u32 $0xF7A, s1;
	s8 =	simm.s32 @!p0 $0x1BF5;
	p2 =	por !p2, p0  }
0x20: {  	[sflag:s8] =	ssyncset.s32 @!p0 $0xFFFFF086;
	s6 =	sadd.s32 @!p0 s3, s7;
	s7 =	simm.s32 @!p0 $0x108  }
0x21: {  	s3 =	sadd.s32 s3, s9;
	s6 =	sadd.s32 @!p0 $0x88, s6;
	s7 =	simm.s32 @p2 $0x1082  }
0x22: {  	[simem:s7], [sflag:s8] =	dma.local @!p0 [hbm:s6], $0xF7A  }
0x23: {  	s9 =	sor.u32 $0xD0000000, s2;
	s6 =	simm.s32 $0x108;
	_ =	swait.ge @!p0 [sflag:s8], $0x0  }
0x24: {  	s3 =	sadd.s32 $0x88, s3;
	s6 =	simm.s32 @!p1 $0x1082;
	[sflag:s4] =	ssyncset.s32 $0xFFFFF086  }
0x25: {  	[simem:s6], [sflag:s4] =	dma.local [hbm:s3], $0xF7A  }
0x26: {  	[smem:$0x3F9F] =	sst s1;
	(tag) =	ssettag s2;
	_ =	strace s9  }
0x27: {  	s1 =	sld [smem:$0x3FAF]  }
0x28: {  	s2 =	sld [smem:$0x3FB0]  }
0x29: {  	s4 =	sld [smem:$0x3FB2]  }
0x2a: {  	p0 =	seq.s32 s5, $0x0;
	s5 =	sld [smem:$0x3FB3]  }
0x2b: {  	s6 =	sld [smem:$0x3FB4]  }
0x2c: {  	s7 =	sld [smem:$0x3FB5]  }
0x2d: {  	s3 =	simm.s32 $0x108;
	s8 =	sld [smem:$0x3FB6]  }
0x2e: {  	s3 =	simm.s32 @!p0 $0x1082;
	s9 =	sld [smem:$0x3FB7]  }
0x2f: {  	lr =	sadd.s32 s0, s3;
	s0 =	sld [smem:$0x3FAE]  }
0x30: {  	s3 =	sld [smem:$0x3FB1]  }
0x31: {  	[smem:$0x3FBA] =	sst s10  }
0x32: {  	s10 =	sld [smem:$0x3FB8];
	_ =	sdelay $0x3  }
0x33: {  	p0 =	seq.s32 s10, $0x1;
	s10 =	sld [smem:$0x3FBA];
	_ =	sdelay $0x3  }
0x34: {  	[smem:$0x3FBA] =	sst s10  }
0x35: {  	s10 =	sld [smem:$0x3FB9];
	_ =	sdelay $0x3  }
0x36: {  	p1 =	seq.s32 s10, $0x1;
	s10 =	sld [smem:$0x3FBA];
	_ =	sdelay $0x3  }
0x37: {  	[smem:$0x3FBA] =	sst s10  }
0x38: {  	s10 =	sld [smem:$0x3FBB]  }
0x39: {  	_ = 	snop;
	(pc) =	sbr.ind lr, $3  }
0x3a: {  	_ = 	snop  }
0x3b: {  	_ = 	snop  }
0x3c: {  	p2 =	seq.s32 s10, $0x1;
	s10 =	sld [smem:$0x3FBA]  }
0x3d: {  	_ =	shalt  }
0x3e: {  	_ =	shalt  }
0x3f: {  	_ =	shalt  }
0x40: {  	_ =	shalt  }
0x41: {  	_ =	shalt  }
0x42: {  	_ =	shalt  }
0x43: {  	_ =	shalt  }
0x44: {  	_ =	shalt  }
0x45: {  	_ =	shalt  }
0x46: {  	_ =	shalt  }
0x47: {  	_ =	shalt  }
0x48: {  	_ =	shalt  }
0x49: {  	_ =	shalt  }
0x4a: {  	_ =	shalt  }
0x4b: {  	_ =	shalt  }
0x4c: {  	_ =	shalt  }
0x4d: {  	_ =	shalt  }
0x4e: {  	_ =	shalt  }
0x4f: {  	_ =	shalt  }
0x50: {  	_ =	shalt  }
0x51: {  	_ =	shalt  }
0x52: {  	_ =	shalt  }
0x53: {  	_ =	shalt  }
0x54: {  	_ =	shalt  }
0x55: {  	_ =	shalt  }
0x56: {  	_ =	shalt  }
0x57: {  	_ =	shalt  }
0x58: {  	_ =	shalt  }
0x59: {  	_ =	shalt  }
0x5a: {  	_ =	shalt  }
0x5b: {  	_ =	shalt  }
0x5c: {  	_ =	shalt  }
0x5d: {  	_ =	shalt  }
0x5e: {  	_ =	shalt  }
0x5f: {  	_ =	shalt  }
0x60: {  	_ =	shalt  }
0x61: {  	_ =	shalt  }
0x62: {  	_ =	shalt  }
0x63: {  	_ =	shalt  }
0x64: {  	_ =	shalt  }
0x65: {  	_ =	shalt  }
0x66: {  	_ =	shalt  }
0x67: {  	_ =	shalt  }
0x68: {  	_ =	shalt  }
0x69: {  	_ =	shalt  }
0x6a: {  	_ =	shalt  }
0x6b: {  	_ =	shalt  }
0x6c: {  	_ =	shalt  }
0x6d: {  	_ =	shalt  }
0x6e: {  	_ =	shalt  }
0x6f: {  	_ =	shalt  }
0x70: {  	_ =	shalt  }
0x71: {  	_ =	shalt  }
0x72: {  	_ =	shalt  }
0x73: {  	_ =	shalt  }
0x74: {  	_ =	shalt  }
0x75: {  	_ =	shalt  }
0x76: {  	_ =	shalt  }
0x77: {  	_ =	shalt  }
0x78: {  	_ =	shalt  }
0x79: {  	_ =	shalt  }
0x7a: {  	_ =	shalt  }
0x7b: {  	_ =	shalt  }
0x7c: {  	_ =	shalt  }
0x7d: {  	_ =	shalt  }
0x7e: {  	_ =	shalt  }
0x7f: {  	_ =	shalt  }
0x80: {  	_ =	shalt  }
0x81: {  	_ =	shalt  }
0x82: {  	_ =	shalt  }
0x83: {  	_ =	shalt  }
0x84: {  	_ =	shalt  }
0x85: {  	_ =	shalt  }
0x86: {  	_ =	shalt  }
0x87: {  	_ =	shalt  }
.Lfunc_end0:
.L_simem_size_0:
called_computation.1_lowered:
.L_overlay_start_0:
0x88: {  	s2 =	sld [smem:$0x3FD9]  }
0x89: {  	s3 =	sld [smem:$0x3FFE];
	_ =	sdelay $0x1  }
0x8a: {  	s1 =	srdreg.scid  }
0x8b: {  	s0 =	sand.u32 $0x1, s1  }
0x8c: {  	s17 =	sshll.u32 s0, $0xA;
	s2 =	sadd.s32 s3, s2  }
0x8d: {  	s2 =	sadd.s32 s2, s17  }
0x8e: {  	[smem:$0x3FC6] =	sst s2  }
0x8f: {  	_ = 	snop  }
0x90: {  	s2 =	sld [smem:$0x3FC8]  }
0x91: {  	s18 =	sld [smem:$0x3FD0];
	(tm) =	ssettm $0x1  }
0x92: {  	s4 =	sld [smem:$0x3FFB];
	_ =	sdelay $0x3  }
0x93: {  	_ =	strace s4  }
0x94: {  	s4 =	sld [smem:$0x3FFC];
	_ =	sdelay $0x3  }
0x95: {  	_ =	strace s4  }
0x96: {  	s4 =	sld [smem:$0x3FFD];
	_ =	sdelay $0x3  }
0x97: {  	_ =	strace s4  }
0x98: {  	_ =	strace $0x8FFFFFFF  }
0x99: {  	s19 =	sld [smem:$0x3FDB];
	_ =	sdelay $0x1  }
0x9a: {  	s5 =	simm.s32 $_scs_section_size  }
0x9b: {  	s6 =	simm.s32 $_size__tile_overlayer_lowered;
	s7 =	simm.s32 $_tile_overlayer_lowered  }
0x9c: {  	s22 =	simm.s32 $0x1BFF;
	s21 =	sshll.u32 s7, $0x1;
	s4 =	sadd.s32 s5, s19  }
0x9d: {  	s8 =	simm.s32 $0x0;
	s20 =	sshll.u32 s6, $0x1;
	s6 =	sadd.s32 s21, s4  }
0x9e: {  	[timem:s8], [sflag:s22] =	dma.local [hbm:s6], s20  }
0x9f: {  	_ =	swait.ge [sflag:s22], s20  }
0xa0: {  	s5 =	ssub.s32 $0x0, s20;
	[sflag:s22] =	ssyncset.done $0x0  }
0xa1: {  	[sflag:s22] =	ssyncadd.s32 s5;
	_ =	sdelay $0x1  }
0xa2: {  	s23 =	simm.s32 $0x1B8B  }
0xa3: {  	_ =	swait.ge [sflag:s23], $0x1  }
0xa4: {  	[sflag:s23] =	ssyncset.done $0x0  }
0xa5: {  	s25 =	simm.s32 $0x1B8E;
	s24 =	sld [smem:$0x3FFE];
	[sflag:s23] =	ssyncadd.s32 $0xFFFFFFFF  }
0xa6: {  	s26 =	simm.s32 $execute0_lowered;
	[smem:$0x3FD2] =	sst s25  }
0xa7: {  	s6 =	sshll.u32 s26, $0x1;
	_ =	strace $0x80000049;
	[dreg:$0x1] =	wrdreg $0xFFFFFFFF  }
0xa8: {  	s28 =	simm.s32 $_size_execute0_lowered;
	s4 =	sadd.s32 s4, s6;
	[dreg:$0x0] =	wrdreg $0x0  }
0xa9: {  	s6 =	sshll.u32 s28, $0x1;
	[dreg:$0x2] =	wrdreg s4  }
0xaa: {  	[dreg:$0x3] =	wrdreg s6  }
0xab: {  	[dreg:$0x4] =	wrdreg $0xC0  }
0xac: {  	_ =	task [dreg:s8], $0x5FFFF  }
0xad: {  	[dreg:$0x1] =	wrdreg $0xFFFFFFFF  }
0xae: {  	[dreg:$0x0] =	wrdreg $0x60  }
0xaf: {  	[dreg:$0x2] =	wrdreg s18  }
0xb0: {  	[dreg:$0x3] =	wrdreg s2  }
0xb1: {  	[dreg:$0x4] =	wrdreg s24  }
0xb2: {  	[dreg:$0x5] =	wrdreg $0x9  }
0xb3: {  	_ =	task.clear_ibuf [dreg:s8], $0x6FFFF;
	_ =	strace $0x90000049  }
0xb4: {  	s29 =	simm.s32 $0x9;
	_ =	strace $0x8000004B  }
0xb5: {  	_ =	swait.ge [sflag:s29], $0x1  }
0xb6: {  	[sflag:s29] =	ssyncadd.s32 $0xFFFFFFFF  }
0xb7: {  	_ =	strace $0x9000004B  }
0xb8: {  	_ =	sfence  }
0xb9: {  	s30 =	sld [smem:$0x0];
	_ =	sdelay $0x2  }
0xba: {  	s31 =	sshll.u32 s1, $0xD;
	s1 =	sshrl.u32 s1, $0x2  }
0xbb: {  	s3 =	sand.u32 $0x4000, s31;
	s1 =	sadd.s32 s1, s30  }
0xbc: {  	s0 =	sor.u32 s3, s0;
	s1 =	sshll.u32 s1, $0x11  }
0xbd: {  	s0 =	sor.u32 s1, s0  }
0xbe: {  	s0 =	sadd.s32 $0x8F2B, s0  }
0xbf: {  	[sflag:s0] =	ssyncadd.remote.s32 $0x1  }
0xc0: {  	_ =	sfence.sel $0xFFFF  }
0xc1: {  	[dreg:$0x0] =	wrdreg $0xFFFFFFFF;
	(pc) =	sbr.abs _section_cstart, $3  }
0xc2: {  	[dreg:$0x1] =	wrdreg $0xFFFFFFFF  }
0xc3: {  	_ =	task.clear_ibuf [dreg:s8], $0x2FFFF;
	_ =	strace $0x9FFFFFFF  }
0xc4: {  	(tm) =	ssettm $0x7FFFFFFF  }
0xc5: {  	_ =	shalt  }
tec
execute0_lowered:
.L_overlay_start_1:
0x0: {  	(tag) =	ssettag $0x1  }
0x1: {  	s5 =	rddreg [dreg:$0x0]  }
0x2: {  	s6 =	rddreg [dreg:$0x1]  }
0x3: {  	s3 =	rddreg [dreg:$0x2]  }
0x4: {  	s0 =	rddreg [dreg:$0x3]  }
0x5: {  	s2 =	simm.s32 $0x0;
	s4 =	srdreg.scid;
	s1 =	stileid.u32  }
0x6: {  	s11 =	simm.s32 $0x10000;
	s12 =	simm.s32 $0x5;
	s13 =	simm.s32 $0x4000  }
0x7: {  	s14 =	simm.s32 $0x1;
	s15 =	simm.s32 $0x8000;
	s16 =	simm.s32 $0x2  }
0x8: {  	s17 =	simm.s32 $0xC000;
	s18 =	simm.s32 $0x3;
	s19 =	simm.s32 $0x4  }
0x9: {  	s20 =	simm.s32 $0x0;
	[smem:$0x7FF] =	sst s2;
	s4 =	sand.u32 $0x1, s4  }
0xa: {  	s8 =	sshll.u32 s1, $0x1;
	s3 =	sadd.s32 $0x800, s3;
	_ =	strace $0x8000004A  }
.Ltmp0:
0xb: {  	s7 =	ssub.s32 $0x2, s4;
	s4 =	sor.u32 s4, s8;
	(pc) =	sbr.rel .LBB2_1-.Ltmp0, $4  }
0xc: {  	s9 =	sshrl.u32 s7, $0x1;
	s31 =	sshll.u32 s4, $0x5;
	s8 =	sshll.u32 s4, $0xF  }
0xd: {  	s10 =	ssub.s32 s7, s9;
	s7 =	sand.u32 $0xE0, s31;
	s5 =	sadd.s32 s5, s8  }
0xe: {  	s4 =	sshll.u32 s4, $0x8;
	s6 =	sadd.s32 s6, s7;
	s7 =	sadd.s32 $0x800, s5  }
0xf: {  	s8 =	sadd.s32 $0x1000, s5;
	s9 =	sadd.s32 $0x1800, s5;
	s10 =	smax.u32 s10, $0x1  }
.LBB2_12:
0x10: {  	s20 =	sadd.s32 $0x1, s20  }
0x11: {  	_ =	swait.ge [sflag:s18], $0x4000;
	p0 =	sne.s32 s20, s10  }
.Ltmp1:
0x12: {  	[sflag:s18] =	ssyncset.done $0x0;
	(pc) =	sbr.rel @!p0 .LBB2_13-.Ltmp1, $4  }
0x13: {  	[sflag:s18] =	ssyncadd.s32 $0xFFFFC000  }
0x14: {  	_ =	swait.ge [sflag:s19], $0x4000  }
0x15: {  	[sflag:s19] =	ssyncset.done $0x0  }
0x16: {  	[sflag:s19] =	ssyncadd.s32 $0xFFFFC000  }
.LBB2_1:
0x17: {  	[tilespmem:s11], [sflag:$0x5] =	stream.linear.gather [hbm4b:s6+s2], $0x100, $0x38;
	[tilespmem:$0x10100] =	vst v63  }
0x18: {  	_ =	swait.ge [sflag:s12], $0x100  }
0x19: {  	[sflag:s12] =	ssyncset.done $0x0  }
0x1a: {  	[sflag:s12] =	ssyncadd.s32 $0xFFFFFF00  }
0x1b: {  	[tilespmem:s2], [sflag:$0x1] =	stream.linear.gather [hbm4b:s5+s2], $0x4000, $0x38;
	[tilespmem:$0x10100] =	vst v63  }
0x1c: {  	s21 =	simm.s32 $0x0  }
0x1d: {  	[tilespmem:s13], [sflag:$0x2] =	stream.linear.gather [hbm4b:s7+s2], $0x4000, $0x38;
	[tilespmem:$0x10100] =	vst v63  }
.LBB2_2:
0x1e: {  	_ =	swait.ge [sflag:s14], $0x4000  }
0x1f: {  	p0 =	seq.s32 s21, $0x0;
	[sflag:s14] =	ssyncset.done $0x0  }
0x20: {  	s25 =	simm.s32 @!p0 $0x3;
	[sflag:s14] =	ssyncadd.s32 $0xFFFFC000  }
0x21: {  	s23 =	sshll.u32 s21, $0x5;
	s22 =	sshll.u32 s21, $0xC;
	_ =	swait.ge @!p0 [sflag:s25], $0x4000  }
0x22: {  	s26 =	simm.s32 $0x8040;
	s28 =	simm.s32 $0x70;
	[sflag:s25] =	ssyncset.done @!p0 $0x0  }
0x23: {  	s24 =	sadd.s32 s4, s23;
	[sflag:s25] =	ssyncadd.s32 @!p0 $0xFFFFC000;
	s25 =	simm.s32 $0x0  }
.LBB2_3:
0x24: {  	s29 =	sor.u32 s23, s25;
	v1 =	vmov s28  }
0x25: {  	v0 =	vmov s29;
	_ =	sdelay $0x2  }
0x26: {  	s29 =	simm.s32 $0x0  }
0x27: {  	v3 =	vld.idx.msk [tilespmem:v1+s29+$0xFFFFFF90 ss:$0x1], $0xffff  }
0x28: {  	v0 =	vld.idx.msk [tilespmem:v0+s11+$0x0], $0xffff;
	_ =	sdelay $0x1  }
0x29: {  	v2 =	vmov s26;
	_ =	sdelay $0x2  }
0x2a: {  	v3 =	vadd.f32 v3, v0;
	_ =	sdelay $0x1  }
0x2b: {  	[tilespmem:v2+s29+$0xFFFFFFC0 ss:$0x1] =	vst.idx.msk $0xffff, v3  }
0x2c: {  	v3 =	vld.idx.msk [tilespmem:v1+s29+$0xFFFFFFA0 ss:$0x1], $0xffff;
	_ =	sdelay $0x4  }
0x2d: {  	v3 =	vadd.f32 v3, v0;
	_ =	sdelay $0x1  }
0x2e: {  	[tilespmem:v2+s29+$0xFFFFFFD0 ss:$0x1] =	vst.idx.msk $0xffff, v3  }
0x2f: {  	v3 =	vld.idx.msk [tilespmem:v1+s29+$0xFFFFFFB0 ss:$0x1], $0xffff;
	_ =	sdelay $0x4  }
0x30: {  	v3 =	vadd.f32 v3, v0;
	_ =	sdelay $0x1  }
0x31: {  	[tilespmem:v2+s29+$0xFFFFFFE0 ss:$0x1] =	vst.idx.msk $0xffff, v3  }
0x32: {  	v3 =	vld.idx.msk [tilespmem:v1+s29+$0xFFFFFFC0 ss:$0x1], $0xffff;
	_ =	sdelay $0x4  }
0x33: {  	v3 =	vadd.f32 v3, v0;
	_ =	sdelay $0x1  }
0x34: {  	[tilespmem:v2+s29+$0xFFFFFFF0 ss:$0x1] =	vst.idx.msk $0xffff, v3  }
0x35: {  	v3 =	vld.idx.msk [tilespmem:v1+s29+$0xFFFFFFD0 ss:$0x1], $0xffff;
	_ =	sdelay $0x4  }
0x36: {  	v3 =	vadd.f32 v3, v0;
	_ =	sdelay $0x1  }
0x37: {  	[tilespmem:v2+s29+$0x0 ss:$0x1] =	vst.idx.msk $0xffff, v3  }
0x38: {  	v3 =	vld.idx.msk [tilespmem:v1+s29+$0xFFFFFFE0 ss:$0x1], $0xffff;
	_ =	sdelay $0x4  }
0x39: {  	v3 =	vadd.f32 v3, v0;
	_ =	sdelay $0x1  }
0x3a: {  	[tilespmem:v2+s29+$0x10 ss:$0x1] =	vst.idx.msk $0xffff, v3  }
0x3b: {  	v3 =	vld.idx.msk [tilespmem:v1+s29+$0xFFFFFFF0 ss:$0x1], $0xffff;
	_ =	sdelay $0x4  }
0x3c: {  	v3 =	vadd.f32 v3, v0;
	_ =	sdelay $0x1  }
0x3d: {  	[tilespmem:v2+s29+$0x20 ss:$0x1] =	vst.idx.msk $0xffff, v3  }
0x3e: {  	v3 =	vld.idx.msk [tilespmem:v1+s29+$0x0 ss:$0x1], $0xffff;
	_ =	sdelay $0x4  }
0x3f: {  	s30 =	simm.s32 $0x200;
	s31 =	simm.s32 $0x400;
	v3 =	vadd.f32 v3, v0  }
.LBB2_4:
0x40: {  	p1 =	sne.s32 s31, $0xE00  }
0x41: {  	[tilespmem:v2+s29+$0x30 ss:$0x1] =	vst.idx.msk $0xffff, v3;
	s29 =	sshra.s32 s30, $0x2;
	s30 =	smov.u32 s31;
	s31 =	sadd.s32 $0x200, s31  }
0x42: {  	v3 =	vld.idx.msk [tilespmem:v1+s29+$0xFFFFFF90 ss:$0x1], $0xffff;
	_ =	sdelay $0x5  }
0x43: {  	v3 =	vadd.f32 v3, v0;
	_ =	sdelay $0x1  }
0x44: {  	[tilespmem:v2+s29+$0xFFFFFFC0 ss:$0x1] =	vst.idx.msk $0xffff, v3  }
0x45: {  	v3 =	vld.idx.msk [tilespmem:v1+s29+$0xFFFFFFA0 ss:$0x1], $0xffff;
	_ =	sdelay $0x5  }
0x46: {  	v3 =	vadd.f32 v3, v0;
	_ =	sdelay $0x1  }
0x47: {  	[tilespmem:v2+s29+$0xFFFFFFD0 ss:$0x1] =	vst.idx.msk $0xffff, v3  }
0x48: {  	v3 =	vld.idx.msk [tilespmem:v1+s29+$0xFFFFFFB0 ss:$0x1], $0xffff;
	_ =	sdelay $0x5  }
0x49: {  	v3 =	vadd.f32 v3, v0;
	_ =	sdelay $0x1  }
0x4a: {  	[tilespmem:v2+s29+$0xFFFFFFE0 ss:$0x1] =	vst.idx.msk $0xffff, v3  }
0x4b: {  	v3 =	vld.idx.msk [tilespmem:v1+s29+$0xFFFFFFC0 ss:$0x1], $0xffff;
	_ =	sdelay $0x5  }
0x4c: {  	v3 =	vadd.f32 v3, v0;
	_ =	sdelay $0x1  }
0x4d: {  	[tilespmem:v2+s29+$0xFFFFFFF0 ss:$0x1] =	vst.idx.msk $0xffff, v3  }
0x4e: {  	v3 =	vld.idx.msk [tilespmem:v1+s29+$0xFFFFFFD0 ss:$0x1], $0xffff;
	_ =	sdelay $0x5  }
0x4f: {  	v3 =	vadd.f32 v3, v0;
	_ =	sdelay $0x1  }
0x50: {  	[tilespmem:v2+s29+$0x0 ss:$0x1] =	vst.idx.msk $0xffff, v3  }
0x51: {  	v3 =	vld.idx.msk [tilespmem:v1+s29+$0xFFFFFFE0 ss:$0x1], $0xffff;
	_ =	sdelay $0x5  }
0x52: {  	v3 =	vadd.f32 v3, v0;
	_ =	sdelay $0x1  }
0x53: {  	[tilespmem:v2+s29+$0x10 ss:$0x1] =	vst.idx.msk $0xffff, v3  }
0x54: {  	v3 =	vld.idx.msk [tilespmem:v1+s29+$0xFFFFFFF0 ss:$0x1], $0xffff;
	_ =	sdelay $0x5  }
0x55: {  	v3 =	vadd.f32 v3, v0;
	_ =	sdelay $0x1  }
0x56: {  	[tilespmem:v2+s29+$0x20 ss:$0x1] =	vst.idx.msk $0xffff, v3  }
0x57: {  	v3 =	vld.idx.msk [tilespmem:v1+s29+$0x0 ss:$0x1], $0xffff;
	_ =	sdelay $0x1  }
.Ltmp2:
0x58: {  	(pc) =	sbr.rel @p1 .LBB2_4-.Ltmp2, $2  }
0x59: {  	_ =	sdelay $0x2  }
0x5a: {  	v3 =	vadd.f32 v3, v0  }
0x5b: {  	_ =	sdelay $0x3  }
0x5c: {  	s30 =	sshra.s32 s30, $0x2;
	[tilespmem:v2+s29+$0x30 ss:$0x1] =	vst.idx.msk $0xffff, v3  }
0x5d: {  	v3 =	vld.idx.msk [tilespmem:v1+s30+$0xFFFFFF90 ss:$0x1], $0xffff;
	_ =	sdelay $0x4  }
0x5e: {  	v3 =	vadd.f32 v3, v0;
	_ =	sdelay $0x1  }
0x5f: {  	[tilespmem:v2+s30+$0xFFFFFFC0 ss:$0x1] =	vst.idx.msk $0xffff, v3  }
0x60: {  	v3 =	vld.idx.msk [tilespmem:v1+s30+$0xFFFFFFA0 ss:$0x1], $0xffff;
	_ =	sdelay $0x4  }
0x61: {  	v3 =	vadd.f32 v3, v0;
	_ =	sdelay $0x1  }
0x62: {  	[tilespmem:v2+s30+$0xFFFFFFD0 ss:$0x1] =	vst.idx.msk $0xffff, v3  }
0x63: {  	v3 =	vld.idx.msk [tilespmem:v1+s30+$0xFFFFFFB0 ss:$0x1], $0xffff;
	_ =	sdelay $0x4  }
0x64: {  	v3 =	vadd.f32 v3, v0;
	_ =	sdelay $0x1  }
0x65: {  	[tilespmem:v2+s30+$0xFFFFFFE0 ss:$0x1] =	vst.idx.msk $0xffff, v3  }
0x66: {  	v3 =	vld.idx.msk [tilespmem:v1+s30+$0xFFFFFFC0 ss:$0x1], $0xffff;
	_ =	sdelay $0x4  }
0x67: {  	v3 =	vadd.f32 v3, v0;
	_ =	sdelay $0x1  }
0x68: {  	[tilespmem:v2+s30+$0xFFFFFFF0 ss:$0x1] =	vst.idx.msk $0xffff, v3  }
0x69: {  	v3 =	vld.idx.msk [tilespmem:v1+s30+$0xFFFFFFD0 ss:$0x1], $0xffff;
	_ =	sdelay $0x4  }
0x6a: {  	v3 =	vadd.f32 v3, v0;
	_ =	sdelay $0x1  }
0x6b: {  	[tilespmem:v2+s30+$0x0 ss:$0x1] =	vst.idx.msk $0xffff, v3  }
0x6c: {  	v3 =	vld.idx.msk [tilespmem:v1+s30+$0xFFFFFFE0 ss:$0x1], $0xffff;
	_ =	sdelay $0x4  }
0x6d: {  	v3 =	vadd.f32 v3, v0;
	_ =	sdelay $0x1  }
0x6e: {  	[tilespmem:v2+s30+$0x10 ss:$0x1] =	vst.idx.msk $0xffff, v3  }
0x6f: {  	v3 =	vld.idx.msk [tilespmem:v1+s30+$0xFFFFFFF0 ss:$0x1], $0xffff;
	_ =	sdelay $0x4  }
0x70: {  	v3 =	vadd.f32 v3, v0;
	_ =	sdelay $0x1  }
0x71: {  	[tilespmem:v2+s30+$0x20 ss:$0x1] =	vst.idx.msk $0xffff, v3  }
0x72: {  	v62 =	vld.idx.msk [tilespmem:v1+s30+$0x0 ss:$0x1], $0xffff  }
0x73: {  	s25 =	sadd.s32 $0x1, s25  }
0x74: {  	p1 =	sne.s32 s25, $0x10  }
.Ltmp3:
0x75: {  	_ = 	snop;
	(pc) =	sbr.rel @p1 .LBB2_3-.Ltmp3, $3  }
0x76: {  	_ = 	snop  }
0x77: {  	v63 =	vadd.f32 v62, v0;
	_ =	sdelay $0x1  }
0x78: {  	s26 =	sadd.s32 $0x400, s26;
	s28 =	sadd.s32 $0x400, s28;
	[tilespmem:v2+s30+$0x30 ss:$0x1] =	vst.idx.msk $0xffff, v63  }
0x79: {  	s24 =	sshll.u32 s24, $0x7  }
0x7a: {  	p1 =	seq.s32 s21, $0x7;
	s24 =	sadd.s32 s3, s24  }
0x7b: {  	[hbm4b:s24+s2] =	stream.linear.scatter [tilespmem:s15], [sflag:$0x3], $0x4000, $0x38;
	[tilespmem:$0x10100] =	vst v63  }
0x7c: {  	s25 =	simm.s32 @!p1 $0x0;
	s24 =	sadd.s32 @!p1 s22, s8  }
0x7d: {  	[tilespmem:s25], [sflag:$0x1] =	stream.linear.gather @!p1 [hbm4b:s24+s25], $0x4000, $0x38;
	[tilespmem:$0x10100] =	vst v63  }
0x7e: {  	_ =	swait.ge [sflag:s16], $0x4000  }
0x7f: {  	[sflag:s16] =	ssyncset.done $0x0  }
0x80: {  	s25 =	simm.s32 @!p0 $0x4;
	[sflag:s16] =	ssyncadd.s32 $0xFFFFC000  }
0x81: {  	s23 =	sor.u32 $0x10, s23;
	_ =	swait.ge @!p0 [sflag:s25], $0x4000  }
0x82: {  	s26 =	simm.s32 $0xC040;
	s28 =	simm.s32 $0x4070;
	[sflag:s25] =	ssyncset.done @!p0 $0x0  }
0x83: {  	s24 =	sadd.s32 s4, s23;
	[sflag:s25] =	ssyncadd.s32 @!p0 $0xFFFFC000;
	s25 =	simm.s32 $0x0  }
.LBB2_7:
0x84: {  	s29 =	sor.u32 s23, s25;
	v1 =	vmov s28  }
0x85: {  	v0 =	vmov s29;
	_ =	sdelay $0x2  }
0x86: {  	s29 =	simm.s32 $0x0  }
0x87: {  	v3 =	vld.idx.msk [tilespmem:v1+s29+$0xFFFFFF90 ss:$0x1], $0xffff  }
0x88: {  	v0 =	vld.idx.msk [tilespmem:v0+s11+$0x0], $0xffff;
	_ =	sdelay $0x1  }
0x89: {  	v2 =	vmov s26;
	_ =	sdelay $0x2  }
0x8a: {  	v3 =	vadd.f32 v3, v0;
	_ =	sdelay $0x1  }
0x8b: {  	[tilespmem:v2+s29+$0xFFFFFFC0 ss:$0x1] =	vst.idx.msk $0xffff, v3  }
0x8c: {  	v3 =	vld.idx.msk [tilespmem:v1+s29+$0xFFFFFFA0 ss:$0x1], $0xffff;
	_ =	sdelay $0x4  }
0x8d: {  	v3 =	vadd.f32 v3, v0;
	_ =	sdelay $0x1  }
0x8e: {  	[tilespmem:v2+s29+$0xFFFFFFD0 ss:$0x1] =	vst.idx.msk $0xffff, v3  }
0x8f: {  	v3 =	vld.idx.msk [tilespmem:v1+s29+$0xFFFFFFB0 ss:$0x1], $0xffff;
	_ =	sdelay $0x4  }
0x90: {  	v3 =	vadd.f32 v3, v0;
	_ =	sdelay $0x1  }
0x91: {  	[tilespmem:v2+s29+$0xFFFFFFE0 ss:$0x1] =	vst.idx.msk $0xffff, v3  }
0x92: {  	v3 =	vld.idx.msk [tilespmem:v1+s29+$0xFFFFFFC0 ss:$0x1], $0xffff;
	_ =	sdelay $0x4  }
0x93: {  	v3 =	vadd.f32 v3, v0;
	_ =	sdelay $0x1  }
0x94: {  	[tilespmem:v2+s29+$0xFFFFFFF0 ss:$0x1] =	vst.idx.msk $0xffff, v3  }
0x95: {  	v3 =	vld.idx.msk [tilespmem:v1+s29+$0xFFFFFFD0 ss:$0x1], $0xffff;
	_ =	sdelay $0x4  }
0x96: {  	v3 =	vadd.f32 v3, v0;
	_ =	sdelay $0x1  }
0x97: {  	[tilespmem:v2+s29+$0x0 ss:$0x1] =	vst.idx.msk $0xffff, v3  }
0x98: {  	v3 =	vld.idx.msk [tilespmem:v1+s29+$0xFFFFFFE0 ss:$0x1], $0xffff;
	_ =	sdelay $0x4  }
0x99: {  	v3 =	vadd.f32 v3, v0;
	_ =	sdelay $0x1  }
0x9a: {  	[tilespmem:v2+s29+$0x10 ss:$0x1] =	vst.idx.msk $0xffff, v3  }
0x9b: {  	v3 =	vld.idx.msk [tilespmem:v1+s29+$0xFFFFFFF0 ss:$0x1], $0xffff;
	_ =	sdelay $0x4  }
0x9c: {  	v3 =	vadd.f32 v3, v0;
	_ =	sdelay $0x1  }
0x9d: {  	[tilespmem:v2+s29+$0x20 ss:$0x1] =	vst.idx.msk $0xffff, v3  }
0x9e: {  	v3 =	vld.idx.msk [tilespmem:v1+s29+$0x0 ss:$0x1], $0xffff;
	_ =	sdelay $0x4  }
0x9f: {  	s30 =	simm.s32 $0x200;
	s31 =	simm.s32 $0x400;
	v3 =	vadd.f32 v3, v0  }
.LBB2_8:
0xa0: {  	p0 =	sne.s32 s31, $0xE00  }
0xa1: {  	[tilespmem:v2+s29+$0x30 ss:$0x1] =	vst.idx.msk $0xffff, v3;
	s29 =	sshra.s32 s30, $0x2;
	s30 =	smov.u32 s31;
	s31 =	sadd.s32 $0x200, s31  }
0xa2: {  	v3 =	vld.idx.msk [tilespmem:v1+s29+$0xFFFFFF90 ss:$0x1], $0xffff;
	_ =	sdelay $0x5  }
0xa3: {  	v3 =	vadd.f32 v3, v0;
	_ =	sdelay $0x1  }
0xa4: {  	[tilespmem:v2+s29+$0xFFFFFFC0 ss:$0x1] =	vst.idx.msk $0xffff, v3  }
0xa5: {  	v3 =	vld.idx.msk [tilespmem:v1+s29+$0xFFFFFFA0 ss:$0x1], $0xffff;
	_ =	sdelay $0x5  }
0xa6: {  	v3 =	vadd.f32 v3, v0;
	_ =	sdelay $0x1  }
0xa7: {  	[tilespmem:v2+s29+$0xFFFFFFD0 ss:$0x1] =	vst.idx.msk $0xffff, v3  }
0xa8: {  	v3 =	vld.idx.msk [tilespmem:v1+s29+$0xFFFFFFB0 ss:$0x1], $0xffff;
	_ =	sdelay $0x5  }
0xa9: {  	v3 =	vadd.f32 v3, v0;
	_ =	sdelay $0x1  }
0xaa: {  	[tilespmem:v2+s29+$0xFFFFFFE0 ss:$0x1] =	vst.idx.msk $0xffff, v3  }
0xab: {  	v3 =	vld.idx.msk [tilespmem:v1+s29+$0xFFFFFFC0 ss:$0x1], $0xffff;
	_ =	sdelay $0x5  }
0xac: {  	v3 =	vadd.f32 v3, v0;
	_ =	sdelay $0x1  }
0xad: {  	[tilespmem:v2+s29+$0xFFFFFFF0 ss:$0x1] =	vst.idx.msk $0xffff, v3  }
0xae: {  	v3 =	vld.idx.msk [tilespmem:v1+s29+$0xFFFFFFD0 ss:$0x1], $0xffff;
	_ =	sdelay $0x5  }
0xaf: {  	v3 =	vadd.f32 v3, v0;
	_ =	sdelay $0x1  }
0xb0: {  	[tilespmem:v2+s29+$0x0 ss:$0x1] =	vst.idx.msk $0xffff, v3  }
0xb1: {  	v3 =	vld.idx.msk [tilespmem:v1+s29+$0xFFFFFFE0 ss:$0x1], $0xffff;
	_ =	sdelay $0x5  }
0xb2: {  	v3 =	vadd.f32 v3, v0;
	_ =	sdelay $0x1  }
0xb3: {  	[tilespmem:v2+s29+$0x10 ss:$0x1] =	vst.idx.msk $0xffff, v3  }
0xb4: {  	v3 =	vld.idx.msk [tilespmem:v1+s29+$0xFFFFFFF0 ss:$0x1], $0xffff;
	_ =	sdelay $0x5  }
0xb5: {  	v3 =	vadd.f32 v3, v0;
	_ =	sdelay $0x1  }
0xb6: {  	[tilespmem:v2+s29+$0x20 ss:$0x1] =	vst.idx.msk $0xffff, v3  }
0xb7: {  	v3 =	vld.idx.msk [tilespmem:v1+s29+$0x0 ss:$0x1], $0xffff;
	_ =	sdelay $0x1  }
.Ltmp4:
0xb8: {  	(pc) =	sbr.rel @p0 .LBB2_8-.Ltmp4, $2  }
0xb9: {  	_ =	sdelay $0x2  }
0xba: {  	v3 =	vadd.f32 v3, v0  }
0xbb: {  	_ =	sdelay $0x3  }
0xbc: {  	s30 =	sshra.s32 s30, $0x2;
	[tilespmem:v2+s29+$0x30 ss:$0x1] =	vst.idx.msk $0xffff, v3  }
0xbd: {  	v3 =	vld.idx.msk [tilespmem:v1+s30+$0xFFFFFF90 ss:$0x1], $0xffff;
	_ =	sdelay $0x4  }
0xbe: {  	v3 =	vadd.f32 v3, v0;
	_ =	sdelay $0x1  }
0xbf: {  	[tilespmem:v2+s30+$0xFFFFFFC0 ss:$0x1] =	vst.idx.msk $0xffff, v3  }
0xc0: {  	v3 =	vld.idx.msk [tilespmem:v1+s30+$0xFFFFFFA0 ss:$0x1], $0xffff;
	_ =	sdelay $0x4  }
0xc1: {  	v3 =	vadd.f32 v3, v0;
	_ =	sdelay $0x1  }
0xc2: {  	[tilespmem:v2+s30+$0xFFFFFFD0 ss:$0x1] =	vst.idx.msk $0xffff, v3  }
0xc3: {  	v3 =	vld.idx.msk [tilespmem:v1+s30+$0xFFFFFFB0 ss:$0x1], $0xffff;
	_ =	sdelay $0x4  }
0xc4: {  	v3 =	vadd.f32 v3, v0;
	_ =	sdelay $0x1  }
0xc5: {  	[tilespmem:v2+s30+$0xFFFFFFE0 ss:$0x1] =	vst.idx.msk $0xffff, v3  }
0xc6: {  	v3 =	vld.idx.msk [tilespmem:v1+s30+$0xFFFFFFC0 ss:$0x1], $0xffff;
	_ =	sdelay $0x4  }
0xc7: {  	v3 =	vadd.f32 v3, v0;
	_ =	sdelay $0x1  }
0xc8: {  	[tilespmem:v2+s30+$0xFFFFFFF0 ss:$0x1] =	vst.idx.msk $0xffff, v3  }
0xc9: {  	v3 =	vld.idx.msk [tilespmem:v1+s30+$0xFFFFFFD0 ss:$0x1], $0xffff;
	_ =	sdelay $0x4  }
0xca: {  	v3 =	vadd.f32 v3, v0;
	_ =	sdelay $0x1  }
0xcb: {  	[tilespmem:v2+s30+$0x0 ss:$0x1] =	vst.idx.msk $0xffff, v3  }
0xcc: {  	v3 =	vld.idx.msk [tilespmem:v1+s30+$0xFFFFFFE0 ss:$0x1], $0xffff;
	_ =	sdelay $0x4  }
0xcd: {  	v3 =	vadd.f32 v3, v0;
	_ =	sdelay $0x1  }
0xce: {  	[tilespmem:v2+s30+$0x10 ss:$0x1] =	vst.idx.msk $0xffff, v3  }
0xcf: {  	v3 =	vld.idx.msk [tilespmem:v1+s30+$0xFFFFFFF0 ss:$0x1], $0xffff;
	_ =	sdelay $0x4  }
0xd0: {  	v3 =	vadd.f32 v3, v0;
	_ =	sdelay $0x1  }
0xd1: {  	[tilespmem:v2+s30+$0x20 ss:$0x1] =	vst.idx.msk $0xffff, v3  }
0xd2: {  	v62 =	vld.idx.msk [tilespmem:v1+s30+$0x0 ss:$0x1], $0xffff  }
0xd3: {  	s25 =	sadd.s32 $0x1, s25  }
0xd4: {  	p0 =	sne.s32 s25, $0x10  }
.Ltmp5:
0xd5: {  	_ = 	snop;
	(pc) =	sbr.rel @p0 .LBB2_7-.Ltmp5, $3  }
0xd6: {  	_ = 	snop  }
0xd7: {  	v63 =	vadd.f32 v62, v0;
	_ =	sdelay $0x1  }
0xd8: {  	s26 =	sadd.s32 $0x400, s26;
	s28 =	sadd.s32 $0x400, s28;
	[tilespmem:v2+s30+$0x30 ss:$0x1] =	vst.idx.msk $0xffff, v63  }
.Ltmp6:
0xd9: {  	(pc) =	sbr.rel @p1 .LBB2_12-.Ltmp6, $4  }
0xda: {  	s23 =	sshll.u32 s24, $0x7  }
0xdb: {  	s23 =	sand.u32 $0x1FFFF800, s23  }
0xdc: {  	s23 =	sadd.s32 s3, s23  }
0xdd: {  	[hbm4b:s23+s2] =	stream.linear.scatter [tilespmem:s17], [sflag:$0x4], $0x4000, $0x38;
	[tilespmem:$0x10100] =	vst v63  }
.Ltmp7:
0xde: {  	(pc) =	sbr.rel .LBB2_2-.Ltmp7, $3  }
0xdf: {  	_ =	sdelay $0x1  }
0xe0: {  	s22 =	sadd.s32 s22, s9;
	s21 =	sadd.s32 $0x1, s21  }
0xe1: {  	[tilespmem:s13], [sflag:$0x2] =	stream.linear.gather [hbm4b:s22+s2], $0x4000, $0x38;
	[tilespmem:$0x10100] =	vst v63  }
.LBB2_13:
0xe2: {  	_ =	sfence.sel $0x180000  }
0xe3: {  	[bflag:$0x0] =	sbarrier.arrive $0xFFFF  }
0xe4: {  	p0 =	sne.s32 s1, $0x0;
	_ =	strace $0x9000004A  }
0xe5: {  	s0 =	sadd.s32 @!p0 $0x100000, s0;
	[bflag:$0x2] =	sbarrier.arrive $0xFFFF  }
0xe6: {  	[sflag:s0] =	ssyncadd.tile.s32 @!p0 $0x1;
	_ =	shalt  }
.Lfunc_end2:
_tile_overlayer_lowered:
.L_overlay_start_2:
0xe7: {  	(tag) =	ssettag $0x2  }
0xe8: {  	s0 =	rddreg [dreg:$0x0];
	s2 =	stileid.u32  }
0xe9: {  	s1 =	rddreg [dreg:$0x1];
	p0 =	sne.s32 s2, $0x0  }
0xea: {  	s3 =	rddreg [dreg:$0x2];
	[bflag:$0x3] =	sbarrier.arrive $0xFFFF;
	s2 =	simm.s32 @!p0 $0x1C05  }
0xeb: {  	[timem:s3], [sflag:s2] =	dma.local @!p0 [hbm:s0], s1  }
0xec: {  	s0 =	simm.s32 @!p0 $0x5  }
0xed: {  	_ =	swait.ge @!p0 [sflag:s0], s1  }
0xee: {  	s1 =	ssub.s32 @!p0 $0x0, s1;
	[sflag:s0] =	ssyncset.done @!p0 $0x0  }
0xef: {  	[sflag:s0] =	ssyncadd.s32 @!p0 s1  }
0xf0: {  	[bflag:$0x3] =	sbarrier.arrive $0xFFFF  }
0xf1: {  	_ =	shalt  }

// kernel: sparse-core-data-format-call.cloned.1.call-start
scs
called_computation_lowered:
.L_overlay_start_0:
0x0: {  	s2 =	sld [smem:$0x3FD9]  }
0x1: {  	s3 =	sld [smem:$0x3FFE];
	_ =	sdelay $0x1  }
0x2: {  	s1 =	srdreg.scid  }
0x3: {  	s0 =	sand.u32 $0x1, s1  }
0x4: {  	s19 =	sshll.u32 s0, $0xA;
	s2 =	sadd.s32 s3, s2  }
0x5: {  	s2 =	sadd.s32 s2, s19  }
0x6: {  	[smem:$0x3FC6] =	sst s2  }
0x7: {  	_ = 	snop  }
0x8: {  	s2 =	sld [smem:$0x3FC9]  }
0x9: {  	s20 =	sld [smem:$0x3FD0];
	(tm) =	ssettm $0x1  }
0xa: {  	s4 =	sld [smem:$0x3FFB];
	_ =	sdelay $0x3  }
0xb: {  	_ =	strace s4  }
0xc: {  	s4 =	sld [smem:$0x3FFC];
	_ =	sdelay $0x3  }
0xd: {  	_ =	strace s4  }
0xe: {  	s4 =	sld [smem:$0x3FFD];
	_ =	sdelay $0x3  }
0xf: {  	_ =	strace s4  }
0x10: {  	_ =	strace $0x8FFFFFFF  }
0x11: {  	s21 =	sld [smem:$0x3FDB];
	_ =	sdelay $0x1  }
0x12: {  	s5 =	simm.s32 $_scs_section_size  }
0x13: {  	s6 =	simm.s32 $_size__tile_overlayer_lowered;
	s7 =	simm.s32 $_tile_overlayer_lowered  }
0x14: {  	s24 =	simm.s32 $0x1BFF;
	s23 =	sshll.u32 s7, $0x1;
	s4 =	sadd.s32 s5, s21  }
0x15: {  	s8 =	simm.s32 $0x0;
	s22 =	sshll.u32 s6, $0x1;
	s6 =	sadd.s32 s23, s4  }
0x16: {  	[timem:s8], [sflag:s24] =	dma.local [hbm:s6], s22  }
0x17: {  	_ =	swait.ge [sflag:s24], s22  }
0x18: {  	s5 =	ssub.s32 $0x0, s22;
	[sflag:s24] =	ssyncset.done $0x0  }
0x19: {  	[sflag:s24] =	ssyncadd.s32 s5;
	_ =	sdelay $0x1  }
0x1a: {  	s25 =	simm.s32 $0x1B8B  }
0x1b: {  	_ =	swait.ge [sflag:s25], $0x1  }
0x1c: {  	[sflag:s25] =	ssyncset.done $0x0  }
0x1d: {  	s26 =	simm.s32 $0x1B8E;
	[sflag:s25] =	ssyncadd.s32 $0xFFFFFFFF  }
0x1e: {  	s27 =	simm.s32 $execute0_lowered;
	[smem:$0x3FD2] =	sst s26  }
0x1f: {  	s5 =	sshll.u32 s27, $0x1;
	_ =	strace $0x80000046;
	[dreg:$0x1] =	wrdreg $0xFFFFFFFF  }
0x20: {  	s28 =	simm.s32 $_size_execute0_lowered;
	s4 =	sadd.s32 s4, s5;
	[dreg:$0x0] =	wrdreg $0x0  }
0x21: {  	s5 =	sshll.u32 s28, $0x1;
	[dreg:$0x2] =	wrdreg s4  }
0x22: {  	[dreg:$0x3] =	wrdreg s5  }
0x23: {  	[dreg:$0x4] =	wrdreg $0xC0  }
0x24: {  	_ =	task [dreg:s8], $0x5FFFF  }
0x25: {  	[dreg:$0x1] =	wrdreg $0xFFFFFFFF  }
0x26: {  	[dreg:$0x0] =	wrdreg $0x60  }
0x27: {  	[dreg:$0x2] =	wrdreg s2  }
0x28: {  	[dreg:$0x3] =	wrdreg s20  }
0x29: {  	[dreg:$0x4] =	wrdreg $0x9  }
0x2a: {  	_ =	task.clear_ibuf [dreg:s8], $0x5FFFF;
	_ =	strace $0x90000046  }
0x2b: {  	s29 =	simm.s32 $0x9;
	_ =	strace $0x80000048  }
0x2c: {  	_ =	swait.ge [sflag:s29], $0x1  }
0x2d: {  	[sflag:s29] =	ssyncadd.s32 $0xFFFFFFFF  }
0x2e: {  	_ =	strace $0x90000048  }
0x2f: {  	_ =	sfence  }
0x30: {  	s30 =	sld [smem:$0x0];
	_ =	sdelay $0x2  }
0x31: {  	s31 =	sshll.u32 s1, $0xD;
	s1 =	sshrl.u32 s1, $0x2  }
0x32: {  	s3 =	sand.u32 $0x4000, s31;
	s1 =	sadd.s32 s1, s30  }
0x33: {  	s0 =	sor.u32 s3, s0;
	s1 =	sshll.u32 s1, $0x11  }
0x34: {  	s0 =	sor.u32 s1, s0  }
0x35: {  	s0 =	sadd.s32 $0x8F2B, s0  }
0x36: {  	[sflag:s0] =	ssyncadd.remote.s32 $0x1  }
0x37: {  	_ =	sfence.sel $0xFFFF  }
0x38: {  	[dreg:$0x0] =	wrdreg $0xFFFFFFFF;
	(pc) =	sbr.abs _section_cstart, $3  }
0x39: {  	[dreg:$0x1] =	wrdreg $0xFFFFFFFF  }
0x3a: {  	_ =	task.clear_ibuf [dreg:s8], $0x2FFFF;
	_ =	strace $0x9FFFFFFF  }
0x3b: {  	(tm) =	ssettm $0x7FFFFFFF  }
tec
execute0_lowered:
.L_overlay_start_1:
0x0: {  	(tag) =	ssettag $0x1  }
0x1: {  	s0 =	srdreg.scid  }
0x2: {  	s1 =	sshll.u32 s0, $0x4  }
0x3: {  	s2 =	rddreg [dreg:$0x0];
	s0 =	stileid.u32;
	s1 =	sand.u32 $0x10, s1  }
0x4: {  	s4 =	rddreg [dreg:$0x1];
	s1 =	sor.u32 s0, s1  }
0x5: {  	s7 =	simm.s32 $0x1;
	s8 =	simm.s32 $0x2;
	s3 =	sshll.u32 s1, $0x1  }
0x6: {  	s9 =	simm.s32 $0x0;
	s12 =	simm.s32 $0x0;
	s6 =	ssub.s32 $0x400, s3  }
.Ltmp0:
0x7: {  	s11 =	simm.s32 $0x0;
	s5 =	sand.u32 $0x3E, s6;
	(pc) =	sbr.rel .LBB1_1-.Ltmp0, $4  }
0x8: {  	s1 =	rddreg [dreg:$0x2];
	_ =	strace $0x80000047;
	p0 =	sne.s32 s5, $0x0  }
0x9: {  	s6 =	sshrl.u32 s6, $0x6;
	s5 =	simm.s32 $0x1;
	s7 =	simm.s32 @!p0 $0x0  }
0xa: {  	s10 =	smov.u32 s3;
	[sflag:s5] =	ssyncpa.u1 $0x0;
	s6 =	sadd.s32 s7, s6  }
0xb: {  	[sflag:s8] =	ssyncpa.u1 $0x0;
	s8 =	simm.s32 $0x0;
	s7 =	sadd.s32 $0x1, s6  }
.LBB1_9:
0xc: {  	s14 =	sadd.s32 $0x40, s10  }
0xd: {  	p1 =	sgt.s32 s14, $0x3FF  }
0xe: {  	s14 =	smov.u32 @p1 s3;
	p1 =	sne.s32 s11, s7  }
.Ltmp1:
0xf: {  	p0 =	slt.u32 s11, $0x2;
	(pc) =	sbr.rel @!p1 .LBB1_10-.Ltmp1, $4  }
0x10: {  	s13 =	simm.s32 @!p0 $0x2  }
0x11: {  	s15 =	sadd.s32 $0x1, s11;
	_ =	swait.ge @!p0 [sflag:s13], $0x4000  }
0x12: {  	s12 =	smov.u32 s10;
	s9 =	sadd.s32 $0x4000, s9;
	[sflag:s13] =	ssyncset.done @!p0 $0x0  }
0x13: {  	s11 =	smov.u32 s15;
	s10 =	smov.u32 s14;
	[sflag:s13] =	ssyncadd.s32 @!p0 $0xFFFFC000  }
.LBB1_1:
0x14: {  	p0 =	sge.u32 s11, s6  }
0x15: {  	s13 =	sxor.u32 @!p0 $0xFFFFFFFF, s11  }
0x16: {  	s31 =	sadd.s32 $0xFFFFFFFF, s11;
	s14 =	sshll.u32 @!p0 s10, $0xA;
	s13 =	sshll.u32 @!p0 s13, $0xE  }
0x17: {  	s15 =	simm.s32 @!p0 $0x0;
	s14 =	sadd.s32 @!p0 s2, s14;
	s13 =	sand.u32 @!p0 $0x4000, s13  }
0x18: {  	[tilespmem:s13], [sflag:$0x1] =	stream.linear.gather @!p0 [hbm4b:s14+s15], $0x4000, $0x38;
	[tilespmem:$0x10000] =	vst v63  }
0x19: {  	p0 =	sge.u32 s31, s6  }
.Ltmp2:
0x1a: {  	_ = 	snop;
	(pc) =	sbr.rel @p0 .LBB1_9-.Ltmp2, $1  }
0x1b: {  	_ =	sdelay $0x3  }
0x1c: {  	s13 =	sshll.u32 s9, $0x2  }
0x1d: {  	_ =	swait.ge [sflag:s5], $0x4000;
	s14 =	sshll.u32 s11, $0xE;
	s16 =	simm.s32 $0x0  }
0x1e: {  	p1 =	por $0x1, $0x1;
	s13 =	sand.u32 $0x10000, s13;
	[sflag:s5] =	ssyncset.done $0x0  }
0x1f: {  	s14 =	sand.u32 $0x4000, s14;
	s15 =	sshrl.u32 s13, $0x2;
	[sflag:s5] =	ssyncadd.s32 $0xFFFFC000  }
0x20: {  	s13 =	sor.u32 $0x8000, s14;
	s14 =	sadd.s32 $0x8040, s15;
	s15 =	sadd.s32 $0x40, s15  }
.LBB1_3:
0x21: {  	s16 =	sshll.u32 s16, $0x2  }
0x22: {  	p0 =	por p1, p1;
	s17 =	sshra.s32 s16, $0x2  }
0x23: {  	s18 =	simm.s32 $0x0;
	s16 =	sadd.s32 s17, s14;
	s17 =	sadd.s32 s17, s15  }
.LBB1_4:
0x24: {  	v0 =	vmov s17;
	_ =	sdelay $0x3  }
0x25: {  	s20 =	simm.s32 $0x0  }
0x26: {  	v6 =	vld.idx.msk [tilespmem:v0+s20+$0x30 ss:$0x1], $0xffff  }
0x27: {  	v7 =	vld.idx.msk [tilespmem:v0+s20+$0xFFFFFFC0 ss:$0x1], $0xffff  }
0x28: {  	v5 =	vld.idx.msk [tilespmem:v0+s20+$0xFFFFFFD0 ss:$0x1], $0xffff  }
0x29: {  	v4 =	vld.idx.msk [tilespmem:v0+s20+$0xFFFFFFE0 ss:$0x1], $0xffff  }
0x2a: {  	v3 =	vld.idx.msk [tilespmem:v0+s20+$0xFFFFFFF0 ss:$0x1], $0xffff  }
0x2b: {  	v1 =	vld.idx.msk [tilespmem:v0+s20+$0x0 ss:$0x1], $0xffff  }
0x2c: {  	v2 =	vld.idx.msk [tilespmem:v0+s20+$0x10 ss:$0x1], $0xffff;
	[tilespmem:s16+$0x30] =	vst v6  }
0x2d: {  	s19 =	simm.s32 $0x80;
	s21 =	simm.s32 $0x400;
	[tilespmem:s16+$0xFFFFFFC0] =	vst v7;
	v6 =	vld.idx.msk [tilespmem:v0+s20+$0x20 ss:$0x1], $0xffff;
	s20 =	smov.u32 s16  }
.LBB1_5:
0x2e: {  	p1 =	sne.s32 s21, $0xE00;
	v7 =	vld.idx.msk [tilespmem:v0+s19+$0x30 ss:$0x1], $0xffff;
	[tilespmem:s20+$0xFFFFFFD0] =	vst v5  }
0x2f: {  	v8 =	vld.idx.msk [tilespmem:v0+s19+$0xFFFFFFC0 ss:$0x1], $0xffff;
	[tilespmem:s20+$0xFFFFFFE0] =	vst v4  }
0x30: {  	v5 =	vld.idx.msk [tilespmem:v0+s19+$0xFFFFFFD0 ss:$0x1], $0xffff;
	[tilespmem:s20+$0xFFFFFFF0] =	vst v3  }
.Ltmp3:
0x31: {  	v4 =	vld.idx.msk [tilespmem:v0+s19+$0xFFFFFFE0 ss:$0x1], $0xffff;
	[tilespmem:s20+$0x0] =	vst v1;
	(pc) =	sbr.rel @p1 .LBB1_5-.Ltmp3, $4  }
0x32: {  	v3 =	vld.idx.msk [tilespmem:v0+s19+$0xFFFFFFF0 ss:$0x1], $0xffff;
	[tilespmem:s20+$0x10] =	vst v2  }
0x33: {  	v1 =	vld.idx.msk [tilespmem:v0+s19+$0x0 ss:$0x1], $0xffff;
	[tilespmem:s20+$0x20] =	vst v6;
	s20 =	sadd.s32 $0x400, s20  }
0x34: {  	v2 =	vld.idx.msk [tilespmem:v0+s19+$0x10 ss:$0x1], $0xffff;
	[tilespmem:s20+$0x30] =	vst v7  }
0x35: {  	[tilespmem:s20+$0xFFFFFFC0] =	vst v8;
	v6 =	vld.idx.msk [tilespmem:v0+s19+$0x20 ss:$0x1], $0xffff;
	s19 =	sshra.s32 s21, $0x2;
	s21 =	sadd.s32 $0x200, s21  }
0x36: {  	_ =	sdelay $0x2  }
0x37: {  	[tilespmem:s20+$0xFFFFFFD0] =	vst v5  }
0x38: {  	v56 =	vld.idx.msk [tilespmem:v0+s19+$0x30 ss:$0x1], $0xffff;
	[tilespmem:s20+$0xFFFFFFE0] =	vst v4  }
0x39: {  	v57 =	vld.idx.msk [tilespmem:v0+s19+$0xFFFFFFC0 ss:$0x1], $0xffff;
	[tilespmem:s20+$0xFFFFFFF0] =	vst v3  }
0x3a: {  	v58 =	vld.idx.msk [tilespmem:v0+s19+$0xFFFFFFD0 ss:$0x1], $0xffff;
	[tilespmem:s20+$0x0] =	vst v1  }
0x3b: {  	v59 =	vld.idx.msk [tilespmem:v0+s19+$0xFFFFFFE0 ss:$0x1], $0xffff;
	[tilespmem:s20+$0x10] =	vst v2  }
0x3c: {  	v60 =	vld.idx.msk [tilespmem:v0+s19+$0xFFFFFFF0 ss:$0x1], $0xffff;
	s31 =	sadd.s32 $0x400, s20;
	[tilespmem:s20+$0x20] =	vst v6  }
0x3d: {  	v61 =	vld.idx.msk [tilespmem:v0+s19+$0x0 ss:$0x1], $0xffff;
	[tilespmem:s31+$0x30] =	vst v56  }
0x3e: {  	v62 =	vld.idx.msk [tilespmem:v0+s19+$0x10 ss:$0x1], $0xffff;
	s18 =	sadd.s32 $0x1, s18;
	[tilespmem:s31+$0xFFFFFFC0] =	vst v57  }
0x3f: {  	v63 =	vld.idx.msk [tilespmem:v0+s19+$0x20 ss:$0x1], $0xffff;
	p1 =	sne.s32 s18, $0x8;
	[tilespmem:s31+$0xFFFFFFD0] =	vst v58  }
.Ltmp4:
0x40: {  	[tilespmem:s31+$0xFFFFFFE0] =	vst v59;
	(pc) =	sbr.rel @p1 .LBB1_4-.Ltmp4, $4  }
0x41: {  	[tilespmem:s31+$0xFFFFFFF0] =	vst v60  }
0x42: {  	[tilespmem:s31+$0x0] =	vst v61  }
0x43: {  	[tilespmem:s31+$0x10] =	vst v62  }
0x44: {  	s16 =	sadd.s32 $0x80, s16;
	s17 =	sadd.s32 $0x400, s17;
	[tilespmem:s31+$0x20] =	vst v63  }
.Ltmp5:
0x45: {  	(pc) =	sbr.rel @p0 .LBB1_3-.Ltmp5, $2  }
0x46: {  	_ =	sdelay $0x2  }
0x47: {  	s16 =	simm.s32 $0x2000;
	p1 =	por $0x0, $0x0  }
.Ltmp6:
0x48: {  	(pc) =	sbr.rel .LBB1_9-.Ltmp6, $4  }
0x49: {  	_ = 	snop  }
0x4a: {  	s12 =	sshll.u32 s12, $0xA  }
0x4b: {  	s12 =	sadd.s32 s4, s12  }
0x4c: {  	[hbm4b:s12+s8] =	stream.linear.scatter [tilespmem:s13], [sflag:$0x2], $0x4000, $0x38;
	[tilespmem:$0x10000] =	vst v63  }
.LBB1_10:
0x4d: {  	_ =	sfence.sel $0x180000  }
0x4e: {  	s2 =	simm.s32 $0x1;
	[bflag:$0x0] =	sbarrier.arrive $0xFFFF  }
0x4f: {  	s31 =	simm.s32 $0x2;
	[sflag:s2] =	ssyncpa.u1 $0x1  }
0x50: {  	[sflag:s31] =	ssyncpa.u1 $0x1  }
0x51: {  	p0 =	sne.s32 s0, $0x0;
	_ =	strace $0x90000047  }
0x52: {  	s0 =	sadd.s32 @!p0 $0x100000, s1;
	[bflag:$0x2] =	sbarrier.arrive $0xFFFF  }
0x53: {  	[sflag:s0] =	ssyncadd.tile.s32 @!p0 $0x1;
	_ =	shalt  }
.Lfunc_end1:
_tile_overlayer_lowered:
.L_overlay_start_2:
0x54: {  	(tag) =	ssettag $0x2  }
0x55: {  	s0 =	rddreg [dreg:$0x0];
	s2 =	stileid.u32  }
0x56: {  	s1 =	rddreg [dreg:$0x1];
	p0 =	sne.s32 s2, $0x0  }
0x57: {  	s3 =	rddreg [dreg:$0x2];
	[bflag:$0x3] =	sbarrier.arrive $0xFFFF;
	s2 =	simm.s32 @!p0 $0x1C01  }
0x58: {  	[timem:s3], [sflag:s2] =	dma.local @!p0 [hbm:s0], s1  }
0x59: {  	s0 =	simm.s32 @!p0 $0x1  }
0x5a: {  	_ =	swait.ge @!p0 [sflag:s0], s1  }
0x5b: {  	s1 =	ssub.s32 @!p0 $0x0, s1;
	[sflag:s0] =	ssyncset.done @!p0 $0x0  }
0x5c: {  	[sflag:s0] =	ssyncadd.s32 @!p0 s1  }
0x5d: {  	[bflag:$0x3] =	sbarrier.arrive $0xFFFF  }
0x5e: {  	_ =	shalt  }

</sc_bundles>
